<compile_context>
chip_gen: v7x
topology: tpu7x:2x2x1
jax: 0.10.2.dev20260603
libtpu: 0.0.44.dev20260713+nightly
codegen_flags: <defaults>
</compile_context>

<pallas_src>
import jax
import jax.numpy as jnp
from jax import lax
from jax.experimental import pallas as pl
from jax.experimental.pallas import tpu as pltpu
from jax.experimental.pallas import tpu_sc as plsc

_N = 100000
_D = 128
_CHUNK = 128
_NFULL = 24
_BIG = 3128
_SMALL = 3120
_TAIL_BIG = _BIG - _NFULL * _CHUNK
_TAIL_SMALL = _SMALL - _NFULL * _CHUNK
_NBUF = 6
_OUTER = _NFULL // _NBUF


def _embed_body(idx_hbm, table_hbm, out_hbm, idx_v, rows_v, table_sp, *sems):
    gsem = sems[:_NBUF]
    wsem = sems[_NBUF:]
    isem = sems[2 * _NBUF]
    sid = lax.axis_index("s")
    w = sid * 2 + lax.axis_index("c")
    big = w < 20
    rbase = _BIG * jnp.minimum(w, 20) + _SMALL * jnp.maximum(w - 20, 0)

    pltpu.async_copy(idx_hbm.at[pl.ds(rbase, _SMALL)],
                     idx_v.at[pl.ds(0, _SMALL)], isem)

    @pl.when(big)
    def _():
        pltpu.async_copy(idx_hbm.at[pl.ds(rbase + _SMALL, _BIG - _SMALL)],
                         idx_v.at[pl.ds(_SMALL, _BIG - _SMALL)], isem)

    @pl.when(sid < 14)
    def _():
        pltpu.sync_copy(table_hbm.at[pl.ds(sid * 8, 8)],
                        table_sp.at[pl.ds(sid * 8, 8)])

    @pl.when(sid == 14)
    def _():
        pltpu.sync_copy(table_hbm.at[pl.ds(112, 6)],
                        table_sp.at[pl.ds(112, 6)])

    plsc.subcore_barrier()

    pltpu.make_async_copy(idx_hbm.at[pl.ds(rbase, _SMALL)],
                          idx_v.at[pl.ds(0, _SMALL)], isem).wait()

    @pl.when(big)
    def _():
        pltpu.make_async_copy(
            idx_hbm.at[pl.ds(rbase + _SMALL, _BIG - _SMALL)],
            idx_v.at[pl.ds(_SMALL, _BIG - _SMALL)], isem).wait()

    def gather_start(j, s, src):
        pltpu.async_copy(
            src.at[idx_v.at[pl.ds(j * _CHUNK, _CHUNK)]],
            rows_v.at[s, pl.ds(0, _CHUNK)], gsem[s])

    def write_start(j, s, src):
        pltpu.make_async_copy(
            src.at[idx_v.at[pl.ds(j * _CHUNK, _CHUNK)]],
            rows_v.at[s, pl.ds(0, _CHUNK)], gsem[s]).wait()
        pltpu.async_copy(
            rows_v.at[s, pl.ds(0, _CHUNK)],
            out_hbm.at[pl.ds(rbase + j * _CHUNK, _CHUNK)], wsem[s])

    def write_wait(j, s):
        @pl.when(j >= 0)
        def _():
            pltpu.make_async_copy(
                rows_v.at[s, pl.ds(0, _CHUNK)],
                out_hbm.at[pl.ds(rbase + j * _CHUNK, _CHUNK)],
                wsem[s]).wait()

    def step(k, carry):
        for s in range(_NBUF):
            j = k * _NBUF + s
            write_wait(j - _NBUF, s)
            gather_start(j, s, table_sp)
        for s in range(_NBUF):
            j = k * _NBUF + s
            write_start(j, s, table_sp)
        return carry

    lax.fori_loop(0, _OUTER, step, 0)

    toff = _NFULL * _CHUNK
    write_wait(_NFULL - _NBUF, 0)

    def tail(tsz):
        pltpu.async_copy(
            table_sp.at[idx_v.at[pl.ds(toff, tsz)]],
            rows_v.at[0, pl.ds(0, tsz)], gsem[0])
        pltpu.make_async_copy(
            table_sp.at[idx_v.at[pl.ds(toff, tsz)]],
            rows_v.at[0, pl.ds(0, tsz)], gsem[0]).wait()
        pltpu.async_copy(
            rows_v.at[0, pl.ds(0, tsz)],
            out_hbm.at[pl.ds(rbase + toff, tsz)], wsem[0])
        pltpu.make_async_copy(
            rows_v.at[0, pl.ds(0, tsz)],
            out_hbm.at[pl.ds(rbase + toff, tsz)], wsem[0]).wait()

    @pl.when(big)
    def _():
        tail(_TAIL_BIG)

    @pl.when(jnp.logical_not(big))
    def _():
        tail(_TAIL_SMALL)

    for s in range(1, _NBUF):
        write_wait(_NFULL - _NBUF + s, s)


def kernel(atomic_numbers, table):
    idx = atomic_numbers.astype(jnp.int32)
    mesh = plsc.VectorSubcoreMesh(core_axis_name="c", subcore_axis_name="s")
    f = pl.kernel(
        _embed_body,
        out_type=jax.ShapeDtypeStruct((_N, _D), jnp.float32),
        scratch_types=[
            pltpu.VMEM((_BIG,), jnp.int32),
            pltpu.VMEM((_NBUF, _CHUNK, _D), jnp.float32),
            pltpu.VMEM_SHARED((118, _D), jnp.float32),
        ] + [pltpu.SemaphoreType.DMA] * (2 * _NBUF + 1),
        mesh=mesh,
    )
    return f(idx, table)

# --- scband reference (transcript-rebuilt; emitter-appended) ---
"""Pipeline reference for scband-atom-embed-45183055953956 (READ-ONLY COPY).

The authoritative reference and input builder live on the scoring server;
editing this copy changes nothing except your own understanding.
"""

import jax, jax.numpy as jnp
import numpy as np

NUM_EMB = 118
N_FEATURES = 128
N_ATOMS = 100000

def setup_inputs(seed: int = 0) -> dict:
    key = jax.random.key(seed)
    k_idx, k_w = jax.random.split(key)
    atomic_numbers = jax.random.randint(k_idx, (N_ATOMS,), 0, NUM_EMB, dtype=jnp.int64 if jax.config.read('jax_enable_x64') else jnp.int32)
    table = jax.random.normal(k_w, (NUM_EMB, N_FEATURES), dtype=jnp.float32)
    return {"atomic_numbers": atomic_numbers, "table": table}

def reference(atomic_numbers, table):
    # nn.Embedding forward: row gather from the embedding table
    embedded_atoms = jnp.take(table, atomic_numbers, axis=0)
    return embedded_atoms

if __name__ == "__main__":
    import jax
    _d = setup_inputs()
    print(jax.jit(kernel)(*tuple(_d.values())))

</pallas_src>

<mosaic_0001>
#map = affine_map<(d0, d1) -> (0)>
#map1 = affine_map<(d0, d1) -> (0, 0)>
module attributes {stable_mosaic.version = 14 : i64} {
  func.func @_embed_body(%arg0: i32, %arg1: i32, %arg2: memref<100000xi32, #tpu.memory_space<hbm>>, %arg3: memref<118x128xf32, #tpu.memory_space<hbm>>, %arg4: memref<100000x128xf32, #tpu.memory_space<hbm>>, %arg5: memref<3128xi32, #tpu.memory_space<vmem>>, %arg6: memref<6x128x128xf32, #tpu.memory_space<vmem>>, %arg7: memref<118x128xf32, #tpu.memory_space<vmem_shared>>, %arg8: memref<!tpu.dma_semaphore, #tpu.memory_space<semaphore_mem>>, %arg9: memref<!tpu.dma_semaphore, #tpu.memory_space<semaphore_mem>>, %arg10: memref<!tpu.dma_semaphore, #tpu.memory_space<semaphore_mem>>, %arg11: memref<!tpu.dma_semaphore, #tpu.memory_space<semaphore_mem>>, %arg12: memref<!tpu.dma_semaphore, #tpu.memory_space<semaphore_mem>>, %arg13: memref<!tpu.dma_semaphore, #tpu.memory_space<semaphore_mem>>, %arg14: memref<!tpu.dma_semaphore, #tpu.memory_space<semaphore_mem>>, %arg15: memref<!tpu.dma_semaphore, #tpu.memory_space<semaphore_mem>>, %arg16: memref<!tpu.dma_semaphore, #tpu.memory_space<semaphore_mem>>, %arg17: memref<!tpu.dma_semaphore, #tpu.memory_space<semaphore_mem>>, %arg18: memref<!tpu.dma_semaphore, #tpu.memory_space<semaphore_mem>>, %arg19: memref<!tpu.dma_semaphore, #tpu.memory_space<semaphore_mem>>, %arg20: memref<!tpu.dma_semaphore, #tpu.memory_space<semaphore_mem>>) attributes {dimension_semantics = [#tpu.dimension_semantics<core_parallel>, #tpu.dimension_semantics<subcore_parallel>], iteration_bounds = array<i64: 2, 16>, scalar_prefetch = 0 : i64, scratch_operands = 16 : i64, tpu.core_type = #tpu.core_type<sc_vector_subcore>, window_params = [{transform_indices = #map}, {transform_indices = #map1}, {transform_indices = #map1}]} {
    %mul3A = arith.constant 2 : i32
    %mul3A_0 = arith.muli %arg1, %mul3A : i32
    %add3A = arith.addi %mul3A_0, %arg0 : i32
    %lt3A = arith.constant 20 : i32
    %lt3A_1 = arith.cmpi slt, %add3A, %lt3A : i32
    %min3A = arith.constant 20 : i32
    %min3A_2 = arith.minsi %add3A, %min3A : i32
    %mul3A_3 = arith.constant 3128 : i32
    %mul3A_4 = arith.muli %mul3A_3, %min3A_2 : i32
    %sub3A = arith.constant 20 : i32
    %sub3A_5 = arith.subi %add3A, %sub3A : i32
    %max3A = arith.constant 0 : i32
    %max3A_6 = arith.maxsi %sub3A_5, %max3A : i32
    %mul3A_7 = arith.constant 3120 : i32
    %mul3A_8 = arith.muli %mul3A_7, %max3A_6 : i32
    %add3A_9 = arith.addi %mul3A_4, %mul3A_8 : i32
    %dma_start3A = arith.constant 0 : i32
    %dma_start3A_10 = tpu.memref_slice %arg5[%dma_start3A] : memref<3128xi32, #tpu.memory_space<vmem>> -> memref<3120xi32, #tpu.memory_space<vmem>>
    %dma_start3A_11 = tpu.memref_slice %arg2[%add3A_9] : memref<100000xi32, #tpu.memory_space<hbm>> -> memref<3120xi32, #tpu.memory_space<hbm>>
    %dma_start3A_12 = arith.constant 0 : i32
    %dma_start3A_13 = tpu.memref_slice %arg5[%dma_start3A_12] : memref<3128xi32, #tpu.memory_space<vmem>> -> memref<3120xi32, #tpu.memory_space<vmem>>
    %dma_start3A_14 = tpu.memref_slice %arg2[%add3A_9] : memref<100000xi32, #tpu.memory_space<hbm>> -> memref<3120xi32, #tpu.memory_space<hbm>>
    tpu.enqueue_dma source(%dma_start3A_14 : memref<3120xi32, #tpu.memory_space<hbm>>) target(%dma_start3A_13 : memref<3120xi32, #tpu.memory_space<vmem>>) target_semaphore(%arg20 : memref<!tpu.dma_semaphore, #tpu.memory_space<semaphore_mem>>)
    %convert_element_type3A = arith.extui %lt3A_1 : i1 to i32
    %cond3A = arith.constant 0 : i32
    %cond3A_15 = arith.cmpi ne, %convert_element_type3A, %cond3A : i32
    scf.if %cond3A_15 {
      %add3A_135 = arith.constant 3120 : i32
      %add3A_136 = arith.addi %add3A_9, %add3A_135 : i32
      %dma_start3A_137 = arith.constant 3120 : i32
      %dma_start3A_138 = tpu.memref_slice %arg5[%dma_start3A_137] : memref<3128xi32, #tpu.memory_space<vmem>> -> memref<8xi32, #tpu.memory_space<vmem>>
      %dma_start3A_139 = tpu.memref_slice %arg2[%add3A_136] : memref<100000xi32, #tpu.memory_space<hbm>> -> memref<8xi32, #tpu.memory_space<hbm>>
      %dma_start3A_140 = arith.constant 3120 : i32
      %dma_start3A_141 = tpu.memref_slice %arg5[%dma_start3A_140] : memref<3128xi32, #tpu.memory_space<vmem>> -> memref<8xi32, #tpu.memory_space<vmem>>
      %dma_start3A_142 = tpu.memref_slice %arg2[%add3A_136] : memref<100000xi32, #tpu.memory_space<hbm>> -> memref<8xi32, #tpu.memory_space<hbm>>
      tpu.enqueue_dma source(%dma_start3A_142 : memref<8xi32, #tpu.memory_space<hbm>>) target(%dma_start3A_141 : memref<8xi32, #tpu.memory_space<vmem>>) target_semaphore(%arg20 : memref<!tpu.dma_semaphore, #tpu.memory_space<semaphore_mem>>)
    } else {
    }
    %lt3A_16 = arith.constant 14 : i32
    %lt3A_17 = arith.cmpi slt, %arg1, %lt3A_16 : i32
    %convert_element_type3A_18 = arith.extui %lt3A_17 : i1 to i32
    %cond3A_19 = arith.constant 0 : i32
    %cond3A_20 = arith.cmpi ne, %convert_element_type3A_18, %cond3A_19 : i32
    scf.if %cond3A_20 {
      %mul3A_135 = arith.constant 8 : i32
      %mul3A_136 = arith.muli %arg1, %mul3A_135 : i32
      %mul3A_137 = arith.constant 8 : i32
      %mul3A_138 = arith.muli %arg1, %mul3A_137 : i32
      "tpu.region"() ({
        %run_scoped3A = tpu.sem_alloc : memref<!tpu.dma_semaphore, #tpu.memory_space<semaphore_mem>>
        %dma_start3A_139 = arith.constant 0 : i32
        %dma_start3A_140 = tpu.memref_slice %arg7[%mul3A_138, %dma_start3A_139] : memref<118x128xf32, #tpu.memory_space<vmem_shared>> -> memref<8x128xf32, #tpu.memory_space<vmem_shared>>
        %dma_start3A_141 = arith.constant 0 : i32
        %dma_start3A_142 = tpu.memref_slice %arg3[%mul3A_136, %dma_start3A_141] : memref<118x128xf32, #tpu.memory_space<hbm>> -> memref<8x128xf32, #tpu.memory_space<hbm>>
        tpu.enqueue_dma source(%dma_start3A_142 : memref<8x128xf32, #tpu.memory_space<hbm>>) target(%dma_start3A_140 : memref<8x128xf32, #tpu.memory_space<vmem_shared>>) target_semaphore(%run_scoped3A : memref<!tpu.dma_semaphore, #tpu.memory_space<semaphore_mem>>)
        %dma_wait3A_143 = arith.constant 0 : i32
        %dma_wait3A_144 = tpu.memref_slice %arg7[%mul3A_138, %dma_wait3A_143] : memref<118x128xf32, #tpu.memory_space<vmem_shared>> -> memref<8x128xf32, #tpu.memory_space<vmem_shared>>
        %dma_wait3A_145 = arith.constant 0 : i32
        %dma_wait3A_146 = tpu.memref_slice %arg3[%mul3A_136, %dma_wait3A_145] : memref<118x128xf32, #tpu.memory_space<hbm>> -> memref<8x128xf32, #tpu.memory_space<hbm>>
        tpu.wait_dma2 semaphore(%run_scoped3A : memref<!tpu.dma_semaphore, #tpu.memory_space<semaphore_mem>>) src(%dma_wait3A_146 : memref<8x128xf32, #tpu.memory_space<hbm>>) dst(%dma_wait3A_144 : memref<8x128xf32, #tpu.memory_space<vmem_shared>>)
        tpu.yield
      }) : () -> ()
    } else {
    }
    %eq3A = arith.constant 14 : i32
    %eq3A_21 = arith.cmpi eq, %arg1, %eq3A : i32
    %convert_element_type3A_22 = arith.extui %eq3A_21 : i1 to i32
    %cond3A_23 = arith.constant 0 : i32
    %cond3A_24 = arith.cmpi ne, %convert_element_type3A_22, %cond3A_23 : i32
    scf.if %cond3A_24 {
      "tpu.region"() ({
        %run_scoped3A = tpu.sem_alloc : memref<!tpu.dma_semaphore, #tpu.memory_space<semaphore_mem>>
        %dma_start3A_135 = arith.constant 112 : i32
        %dma_start3A_136 = arith.constant 0 : i32
        %dma_start3A_137 = tpu.memref_slice %arg7[%dma_start3A_135, %dma_start3A_136] : memref<118x128xf32, #tpu.memory_space<vmem_shared>> -> memref<6x128xf32, #tpu.memory_space<vmem_shared>>
        %dma_start3A_138 = arith.constant 112 : i32
        %dma_start3A_139 = arith.constant 0 : i32
        %dma_start3A_140 = tpu.memref_slice %arg3[%dma_start3A_138, %dma_start3A_139] : memref<118x128xf32, #tpu.memory_space<hbm>> -> memref<6x128xf32, #tpu.memory_space<hbm>>
        tpu.enqueue_dma source(%dma_start3A_140 : memref<6x128xf32, #tpu.memory_space<hbm>>) target(%dma_start3A_137 : memref<6x128xf32, #tpu.memory_space<vmem_shared>>) target_semaphore(%run_scoped3A : memref<!tpu.dma_semaphore, #tpu.memory_space<semaphore_mem>>)
        %dma_wait3A_141 = arith.constant 112 : i32
        %dma_wait3A_142 = arith.constant 0 : i32
        %dma_wait3A_143 = tpu.memref_slice %arg7[%dma_wait3A_141, %dma_wait3A_142] : memref<118x128xf32, #tpu.memory_space<vmem_shared>> -> memref<6x128xf32, #tpu.memory_space<vmem_shared>>
        %dma_wait3A_144 = arith.constant 112 : i32
        %dma_wait3A_145 = arith.constant 0 : i32
        %dma_wait3A_146 = tpu.memref_slice %arg3[%dma_wait3A_144, %dma_wait3A_145] : memref<118x128xf32, #tpu.memory_space<hbm>> -> memref<6x128xf32, #tpu.memory_space<hbm>>
        tpu.wait_dma2 semaphore(%run_scoped3A : memref<!tpu.dma_semaphore, #tpu.memory_space<semaphore_mem>>) src(%dma_wait3A_146 : memref<6x128xf32, #tpu.memory_space<hbm>>) dst(%dma_wait3A_143 : memref<6x128xf32, #tpu.memory_space<vmem_shared>>)
        tpu.yield
      }) : () -> ()
    } else {
    }
    %barrier3A = arith.constant 0 : index
    tpu.barrier barrier_id(%barrier3A)
    %dma_wait3A = arith.constant 0 : i32
    %dma_wait3A_25 = tpu.memref_slice %arg5[%dma_wait3A] : memref<3128xi32, #tpu.memory_space<vmem>> -> memref<3120xi32, #tpu.memory_space<vmem>>
    %dma_wait3A_26 = tpu.memref_slice %arg2[%add3A_9] : memref<100000xi32, #tpu.memory_space<hbm>> -> memref<3120xi32, #tpu.memory_space<hbm>>
    %dma_wait3A_27 = arith.constant 0 : i32
    %dma_wait3A_28 = tpu.memref_slice %arg5[%dma_wait3A_27] : memref<3128xi32, #tpu.memory_space<vmem>> -> memref<3120xi32, #tpu.memory_space<vmem>>
    %dma_wait3A_29 = tpu.memref_slice %arg2[%add3A_9] : memref<100000xi32, #tpu.memory_space<hbm>> -> memref<3120xi32, #tpu.memory_space<hbm>>
    tpu.wait_dma2 semaphore(%arg20 : memref<!tpu.dma_semaphore, #tpu.memory_space<semaphore_mem>>) src(%dma_wait3A_29 : memref<3120xi32, #tpu.memory_space<hbm>>) dst(%dma_wait3A_28 : memref<3120xi32, #tpu.memory_space<vmem>>)
    %convert_element_type3A_30 = arith.extui %lt3A_1 : i1 to i32
    %cond3A_31 = arith.constant 0 : i32
    %cond3A_32 = arith.cmpi ne, %convert_element_type3A_30, %cond3A_31 : i32
    scf.if %cond3A_32 {
      %add3A_135 = arith.constant 3120 : i32
      %add3A_136 = arith.addi %add3A_9, %add3A_135 : i32
      %dma_wait3A_137 = arith.constant 3120 : i32
      %dma_wait3A_138 = tpu.memref_slice %arg5[%dma_wait3A_137] : memref<3128xi32, #tpu.memory_space<vmem>> -> memref<8xi32, #tpu.memory_space<vmem>>
      %dma_wait3A_139 = tpu.memref_slice %arg2[%add3A_136] : memref<100000xi32, #tpu.memory_space<hbm>> -> memref<8xi32, #tpu.memory_space<hbm>>
      %dma_wait3A_140 = arith.constant 3120 : i32
      %dma_wait3A_141 = tpu.memref_slice %arg5[%dma_wait3A_140] : memref<3128xi32, #tpu.memory_space<vmem>> -> memref<8xi32, #tpu.memory_space<vmem>>
      %dma_wait3A_142 = tpu.memref_slice %arg2[%add3A_136] : memref<100000xi32, #tpu.memory_space<hbm>> -> memref<8xi32, #tpu.memory_space<hbm>>
      tpu.wait_dma2 semaphore(%arg20 : memref<!tpu.dma_semaphore, #tpu.memory_space<semaphore_mem>>) src(%dma_wait3A_142 : memref<8xi32, #tpu.memory_space<hbm>>) dst(%dma_wait3A_141 : memref<8xi32, #tpu.memory_space<vmem>>)
    } else {
    }
    %scan3A = arith.constant 0 : i32
    %scan3A_33 = arith.constant 0 : i32
    %scan3A_34 = arith.constant 4 : i32
    %scan3A_35 = arith.addi %scan3A_33, %scan3A_34 : i32
    %scan3A_36 = arith.constant 1 : i32
    scf.for %scan3A_135 = %scan3A_33 to %scan3A_35 step %scan3A_36  : i32 {
      %mul3A_136 = arith.constant 6 : i32
      %mul3A_137 = arith.muli %scan3A_135, %mul3A_136 : i32
      %add3A_138 = arith.constant 0 : i32
      %add3A_139 = arith.addi %mul3A_137, %add3A_138 : i32
      %sub3A_140 = arith.constant 6 : i32
      %sub3A_141 = arith.subi %add3A_139, %sub3A_140 : i32
      %ge3A = arith.constant 0 : i32
      %ge3A_142 = arith.cmpi sge, %sub3A_141, %ge3A : i32
      %convert_element_type3A_143 = arith.extui %ge3A_142 : i1 to i32
      %cond3A_144 = arith.constant 0 : i32
      %cond3A_145 = arith.cmpi ne, %convert_element_type3A_143, %cond3A_144 : i32
      scf.if %cond3A_145 {
        %mul3A_453 = arith.constant 128 : i32
        %mul3A_454 = arith.muli %sub3A_141, %mul3A_453 : i32
        %add3A_455 = arith.addi %add3A_9, %mul3A_454 : i32
        %dma_wait3A_456 = arith.constant 0 : i32
        %dma_wait3A_457 = arith.constant 0 : i32
        %dma_wait3A_458 = arith.constant 0 : i32
        %dma_wait3A_459 = tpu.memref_slice %arg6[%dma_wait3A_456, %dma_wait3A_457, %dma_wait3A_458] : memref<6x128x128xf32, #tpu.memory_space<vmem>> -> memref<1x128x128xf32, #tpu.memory_space<vmem>>
        %dma_wait3A_460 = tpu.memref_squeeze %dma_wait3A_459 : memref<1x128x128xf32, #tpu.memory_space<vmem>> -> memref<128x128xf32, #tpu.memory_space<vmem>>
        %dma_wait3A_461 = arith.constant 0 : i32
        %dma_wait3A_462 = tpu.memref_slice %arg4[%add3A_455, %dma_wait3A_461] : memref<100000x128xf32, #tpu.memory_space<hbm>> -> memref<128x128xf32, #tpu.memory_space<hbm>>
        %dma_wait3A_463 = arith.constant 0 : i32
        %dma_wait3A_464 = tpu.memref_slice %arg4[%add3A_455, %dma_wait3A_463] : memref<100000x128xf32, #tpu.memory_space<hbm>> -> memref<128x128xf32, #tpu.memory_space<hbm>>
        %dma_wait3A_465 = arith.constant 0 : i32
        %dma_wait3A_466 = arith.constant 0 : i32
        %dma_wait3A_467 = tpu.memref_slice %arg6[%dma_wait3A_456, %dma_wait3A_465, %dma_wait3A_466] : memref<6x128x128xf32, #tpu.memory_space<vmem>> -> memref<1x128x128xf32, #tpu.memory_space<vmem>>
        %dma_wait3A_468 = tpu.memref_squeeze %dma_wait3A_467 : memref<1x128x128xf32, #tpu.memory_space<vmem>> -> memref<128x128xf32, #tpu.memory_space<vmem>>
        tpu.wait_dma2 semaphore(%arg14 : memref<!tpu.dma_semaphore, #tpu.memory_space<semaphore_mem>>) src(%dma_wait3A_468 : memref<128x128xf32, #tpu.memory_space<vmem>>) dst(%dma_wait3A_464 : memref<128x128xf32, #tpu.memory_space<hbm>>)
      } else {
      }
      %mul3A_146 = arith.constant 128 : i32
      %mul3A_147 = arith.muli %add3A_139, %mul3A_146 : i32
      %dma_start3A_148 = arith.constant 0 : i32
      %dma_start3A_149 = arith.constant 0 : i32
      %dma_start3A_150 = arith.constant 0 : i32
      %dma_start3A_151 = tpu.memref_slice %arg6[%dma_start3A_148, %dma_start3A_149, %dma_start3A_150] : memref<6x128x128xf32, #tpu.memory_space<vmem>> -> memref<1x128x128xf32, #tpu.memory_space<vmem>>
      %dma_start3A_152 = tpu.memref_squeeze %dma_start3A_151 : memref<1x128x128xf32, #tpu.memory_space<vmem>> -> memref<128x128xf32, #tpu.memory_space<vmem>>
      %dma_start3A_153 = tpu.memref_slice %arg5[%mul3A_147] : memref<3128xi32, #tpu.memory_space<vmem>> -> memref<128xi32, #tpu.memory_space<vmem>>
      %dma_start3A_154 = arith.constant 0 : i32
      %dma_start3A_155 = arith.constant 0 : i32
      %dma_start3A_156 = tpu.memref_slice %arg7[%dma_start3A_154, %dma_start3A_155] : memref<118x128xf32, #tpu.memory_space<vmem_shared>> -> memref<118x128xf32, #tpu.memory_space<vmem_shared>>
      tpu.enqueue_indirect_dma source(%dma_start3A_156 : memref<118x128xf32, #tpu.memory_space<vmem_shared>>) target(%dma_start3A_152 : memref<128x128xf32, #tpu.memory_space<vmem>>) offsets(%dma_start3A_153 : memref<128xi32, #tpu.memory_space<vmem>>) semaphore(%arg8 : memref<!tpu.dma_semaphore, #tpu.memory_space<semaphore_mem>>)
      %mul3A_157 = arith.constant 6 : i32
      %mul3A_158 = arith.muli %scan3A_135, %mul3A_157 : i32
      %add3A_159 = arith.constant 1 : i32
      %add3A_160 = arith.addi %mul3A_158, %add3A_159 : i32
      %sub3A_161 = arith.constant 6 : i32
      %sub3A_162 = arith.subi %add3A_160, %sub3A_161 : i32
      %ge3A_163 = arith.constant 0 : i32
      %ge3A_164 = arith.cmpi sge, %sub3A_162, %ge3A_163 : i32
      %convert_element_type3A_165 = arith.extui %ge3A_164 : i1 to i32
      %cond3A_166 = arith.constant 0 : i32
      %cond3A_167 = arith.cmpi ne, %convert_element_type3A_165, %cond3A_166 : i32
      scf.if %cond3A_167 {
        %mul3A_453 = arith.constant 128 : i32
        %mul3A_454 = arith.muli %sub3A_162, %mul3A_453 : i32
        %add3A_455 = arith.addi %add3A_9, %mul3A_454 : i32
        %dma_wait3A_456 = arith.constant 1 : i32
        %dma_wait3A_457 = arith.constant 0 : i32
        %dma_wait3A_458 = arith.constant 0 : i32
        %dma_wait3A_459 = tpu.memref_slice %arg6[%dma_wait3A_456, %dma_wait3A_457, %dma_wait3A_458] : memref<6x128x128xf32, #tpu.memory_space<vmem>> -> memref<1x128x128xf32, #tpu.memory_space<vmem>>
        %dma_wait3A_460 = tpu.memref_squeeze %dma_wait3A_459 : memref<1x128x128xf32, #tpu.memory_space<vmem>> -> memref<128x128xf32, #tpu.memory_space<vmem>>
        %dma_wait3A_461 = arith.constant 0 : i32
        %dma_wait3A_462 = tpu.memref_slice %arg4[%add3A_455, %dma_wait3A_461] : memref<100000x128xf32, #tpu.memory_space<hbm>> -> memref<128x128xf32, #tpu.memory_space<hbm>>
        %dma_wait3A_463 = arith.constant 0 : i32
        %dma_wait3A_464 = tpu.memref_slice %arg4[%add3A_455, %dma_wait3A_463] : memref<100000x128xf32, #tpu.memory_space<hbm>> -> memref<128x128xf32, #tpu.memory_space<hbm>>
        %dma_wait3A_465 = arith.constant 0 : i32
        %dma_wait3A_466 = arith.constant 0 : i32
        %dma_wait3A_467 = tpu.memref_slice %arg6[%dma_wait3A_456, %dma_wait3A_465, %dma_wait3A_466] : memref<6x128x128xf32, #tpu.memory_space<vmem>> -> memref<1x128x128xf32, #tpu.memory_space<vmem>>
        %dma_wait3A_468 = tpu.memref_squeeze %dma_wait3A_467 : memref<1x128x128xf32, #tpu.memory_space<vmem>> -> memref<128x128xf32, #tpu.memory_space<vmem>>
        tpu.wait_dma2 semaphore(%arg15 : memref<!tpu.dma_semaphore, #tpu.memory_space<semaphore_mem>>) src(%dma_wait3A_468 : memref<128x128xf32, #tpu.memory_space<vmem>>) dst(%dma_wait3A_464 : memref<128x128xf32, #tpu.memory_space<hbm>>)
      } else {
      }
      %mul3A_168 = arith.constant 128 : i32
      %mul3A_169 = arith.muli %add3A_160, %mul3A_168 : i32
      %dma_start3A_170 = arith.constant 1 : i32
      %dma_start3A_171 = arith.constant 0 : i32
      %dma_start3A_172 = arith.constant 0 : i32
      %dma_start3A_173 = tpu.memref_slice %arg6[%dma_start3A_170, %dma_start3A_171, %dma_start3A_172] : memref<6x128x128xf32, #tpu.memory_space<vmem>> -> memref<1x128x128xf32, #tpu.memory_space<vmem>>
      %dma_start3A_174 = tpu.memref_squeeze %dma_start3A_173 : memref<1x128x128xf32, #tpu.memory_space<vmem>> -> memref<128x128xf32, #tpu.memory_space<vmem>>
      %dma_start3A_175 = tpu.memref_slice %arg5[%mul3A_169] : memref<3128xi32, #tpu.memory_space<vmem>> -> memref<128xi32, #tpu.memory_space<vmem>>
      %dma_start3A_176 = arith.constant 0 : i32
      %dma_start3A_177 = arith.constant 0 : i32
      %dma_start3A_178 = tpu.memref_slice %arg7[%dma_start3A_176, %dma_start3A_177] : memref<118x128xf32, #tpu.memory_space<vmem_shared>> -> memref<118x128xf32, #tpu.memory_space<vmem_shared>>
      tpu.enqueue_indirect_dma source(%dma_start3A_178 : memref<118x128xf32, #tpu.memory_space<vmem_shared>>) target(%dma_start3A_174 : memref<128x128xf32, #tpu.memory_space<vmem>>) offsets(%dma_start3A_175 : memref<128xi32, #tpu.memory_space<vmem>>) semaphore(%arg9 : memref<!tpu.dma_semaphore, #tpu.memory_space<semaphore_mem>>)
      %mul3A_179 = arith.constant 6 : i32
      %mul3A_180 = arith.muli %scan3A_135, %mul3A_179 : i32
      %add3A_181 = arith.constant 2 : i32
      %add3A_182 = arith.addi %mul3A_180, %add3A_181 : i32
      %sub3A_183 = arith.constant 6 : i32
      %sub3A_184 = arith.subi %add3A_182, %sub3A_183 : i32
      %ge3A_185 = arith.constant 0 : i32
      %ge3A_186 = arith.cmpi sge, %sub3A_184, %ge3A_185 : i32
      %convert_element_type3A_187 = arith.extui %ge3A_186 : i1 to i32
      %cond3A_188 = arith.constant 0 : i32
      %cond3A_189 = arith.cmpi ne, %convert_element_type3A_187, %cond3A_188 : i32
      scf.if %cond3A_189 {
        %mul3A_453 = arith.constant 128 : i32
        %mul3A_454 = arith.muli %sub3A_184, %mul3A_453 : i32
        %add3A_455 = arith.addi %add3A_9, %mul3A_454 : i32
        %dma_wait3A_456 = arith.constant 2 : i32
        %dma_wait3A_457 = arith.constant 0 : i32
        %dma_wait3A_458 = arith.constant 0 : i32
        %dma_wait3A_459 = tpu.memref_slice %arg6[%dma_wait3A_456, %dma_wait3A_457, %dma_wait3A_458] : memref<6x128x128xf32, #tpu.memory_space<vmem>> -> memref<1x128x128xf32, #tpu.memory_space<vmem>>
        %dma_wait3A_460 = tpu.memref_squeeze %dma_wait3A_459 : memref<1x128x128xf32, #tpu.memory_space<vmem>> -> memref<128x128xf32, #tpu.memory_space<vmem>>
        %dma_wait3A_461 = arith.constant 0 : i32
        %dma_wait3A_462 = tpu.memref_slice %arg4[%add3A_455, %dma_wait3A_461] : memref<100000x128xf32, #tpu.memory_space<hbm>> -> memref<128x128xf32, #tpu.memory_space<hbm>>
        %dma_wait3A_463 = arith.constant 0 : i32
        %dma_wait3A_464 = tpu.memref_slice %arg4[%add3A_455, %dma_wait3A_463] : memref<100000x128xf32, #tpu.memory_space<hbm>> -> memref<128x128xf32, #tpu.memory_space<hbm>>
        %dma_wait3A_465 = arith.constant 0 : i32
        %dma_wait3A_466 = arith.constant 0 : i32
        %dma_wait3A_467 = tpu.memref_slice %arg6[%dma_wait3A_456, %dma_wait3A_465, %dma_wait3A_466] : memref<6x128x128xf32, #tpu.memory_space<vmem>> -> memref<1x128x128xf32, #tpu.memory_space<vmem>>
        %dma_wait3A_468 = tpu.memref_squeeze %dma_wait3A_467 : memref<1x128x128xf32, #tpu.memory_space<vmem>> -> memref<128x128xf32, #tpu.memory_space<vmem>>
        tpu.wait_dma2 semaphore(%arg16 : memref<!tpu.dma_semaphore, #tpu.memory_space<semaphore_mem>>) src(%dma_wait3A_468 : memref<128x128xf32, #tpu.memory_space<vmem>>) dst(%dma_wait3A_464 : memref<128x128xf32, #tpu.memory_space<hbm>>)
      } else {
      }
      %mul3A_190 = arith.constant 128 : i32
      %mul3A_191 = arith.muli %add3A_182, %mul3A_190 : i32
      %dma_start3A_192 = arith.constant 2 : i32
      %dma_start3A_193 = arith.constant 0 : i32
      %dma_start3A_194 = arith.constant 0 : i32
      %dma_start3A_195 = tpu.memref_slice %arg6[%dma_start3A_192, %dma_start3A_193, %dma_start3A_194] : memref<6x128x128xf32, #tpu.memory_space<vmem>> -> memref<1x128x128xf32, #tpu.memory_space<vmem>>
      %dma_start3A_196 = tpu.memref_squeeze %dma_start3A_195 : memref<1x128x128xf32, #tpu.memory_space<vmem>> -> memref<128x128xf32, #tpu.memory_space<vmem>>
      %dma_start3A_197 = tpu.memref_slice %arg5[%mul3A_191] : memref<3128xi32, #tpu.memory_space<vmem>> -> memref<128xi32, #tpu.memory_space<vmem>>
      %dma_start3A_198 = arith.constant 0 : i32
      %dma_start3A_199 = arith.constant 0 : i32
      %dma_start3A_200 = tpu.memref_slice %arg7[%dma_start3A_198, %dma_start3A_199] : memref<118x128xf32, #tpu.memory_space<vmem_shared>> -> memref<118x128xf32, #tpu.memory_space<vmem_shared>>
      tpu.enqueue_indirect_dma source(%dma_start3A_200 : memref<118x128xf32, #tpu.memory_space<vmem_shared>>) target(%dma_start3A_196 : memref<128x128xf32, #tpu.memory_space<vmem>>) offsets(%dma_start3A_197 : memref<128xi32, #tpu.memory_space<vmem>>) semaphore(%arg10 : memref<!tpu.dma_semaphore, #tpu.memory_space<semaphore_mem>>)
      %mul3A_201 = arith.constant 6 : i32
      %mul3A_202 = arith.muli %scan3A_135, %mul3A_201 : i32
      %add3A_203 = arith.constant 3 : i32
      %add3A_204 = arith.addi %mul3A_202, %add3A_203 : i32
      %sub3A_205 = arith.constant 6 : i32
      %sub3A_206 = arith.subi %add3A_204, %sub3A_205 : i32
      %ge3A_207 = arith.constant 0 : i32
      %ge3A_208 = arith.cmpi sge, %sub3A_206, %ge3A_207 : i32
      %convert_element_type3A_209 = arith.extui %ge3A_208 : i1 to i32
      %cond3A_210 = arith.constant 0 : i32
      %cond3A_211 = arith.cmpi ne, %convert_element_type3A_209, %cond3A_210 : i32
      scf.if %cond3A_211 {
        %mul3A_453 = arith.constant 128 : i32
        %mul3A_454 = arith.muli %sub3A_206, %mul3A_453 : i32
        %add3A_455 = arith.addi %add3A_9, %mul3A_454 : i32
        %dma_wait3A_456 = arith.constant 3 : i32
        %dma_wait3A_457 = arith.constant 0 : i32
        %dma_wait3A_458 = arith.constant 0 : i32
        %dma_wait3A_459 = tpu.memref_slice %arg6[%dma_wait3A_456, %dma_wait3A_457, %dma_wait3A_458] : memref<6x128x128xf32, #tpu.memory_space<vmem>> -> memref<1x128x128xf32, #tpu.memory_space<vmem>>
        %dma_wait3A_460 = tpu.memref_squeeze %dma_wait3A_459 : memref<1x128x128xf32, #tpu.memory_space<vmem>> -> memref<128x128xf32, #tpu.memory_space<vmem>>
        %dma_wait3A_461 = arith.constant 0 : i32
        %dma_wait3A_462 = tpu.memref_slice %arg4[%add3A_455, %dma_wait3A_461] : memref<100000x128xf32, #tpu.memory_space<hbm>> -> memref<128x128xf32, #tpu.memory_space<hbm>>
        %dma_wait3A_463 = arith.constant 0 : i32
        %dma_wait3A_464 = tpu.memref_slice %arg4[%add3A_455, %dma_wait3A_463] : memref<100000x128xf32, #tpu.memory_space<hbm>> -> memref<128x128xf32, #tpu.memory_space<hbm>>
        %dma_wait3A_465 = arith.constant 0 : i32
        %dma_wait3A_466 = arith.constant 0 : i32
        %dma_wait3A_467 = tpu.memref_slice %arg6[%dma_wait3A_456, %dma_wait3A_465, %dma_wait3A_466] : memref<6x128x128xf32, #tpu.memory_space<vmem>> -> memref<1x128x128xf32, #tpu.memory_space<vmem>>
        %dma_wait3A_468 = tpu.memref_squeeze %dma_wait3A_467 : memref<1x128x128xf32, #tpu.memory_space<vmem>> -> memref<128x128xf32, #tpu.memory_space<vmem>>
        tpu.wait_dma2 semaphore(%arg17 : memref<!tpu.dma_semaphore, #tpu.memory_space<semaphore_mem>>) src(%dma_wait3A_468 : memref<128x128xf32, #tpu.memory_space<vmem>>) dst(%dma_wait3A_464 : memref<128x128xf32, #tpu.memory_space<hbm>>)
      } else {
      }
      %mul3A_212 = arith.constant 128 : i32
      %mul3A_213 = arith.muli %add3A_204, %mul3A_212 : i32
      %dma_start3A_214 = arith.constant 3 : i32
      %dma_start3A_215 = arith.constant 0 : i32
      %dma_start3A_216 = arith.constant 0 : i32
      %dma_start3A_217 = tpu.memref_slice %arg6[%dma_start3A_214, %dma_start3A_215, %dma_start3A_216] : memref<6x128x128xf32, #tpu.memory_space<vmem>> -> memref<1x128x128xf32, #tpu.memory_space<vmem>>
      %dma_start3A_218 = tpu.memref_squeeze %dma_start3A_217 : memref<1x128x128xf32, #tpu.memory_space<vmem>> -> memref<128x128xf32, #tpu.memory_space<vmem>>
      %dma_start3A_219 = tpu.memref_slice %arg5[%mul3A_213] : memref<3128xi32, #tpu.memory_space<vmem>> -> memref<128xi32, #tpu.memory_space<vmem>>
      %dma_start3A_220 = arith.constant 0 : i32
      %dma_start3A_221 = arith.constant 0 : i32
      %dma_start3A_222 = tpu.memref_slice %arg7[%dma_start3A_220, %dma_start3A_221] : memref<118x128xf32, #tpu.memory_space<vmem_shared>> -> memref<118x128xf32, #tpu.memory_space<vmem_shared>>
      tpu.enqueue_indirect_dma source(%dma_start3A_222 : memref<118x128xf32, #tpu.memory_space<vmem_shared>>) target(%dma_start3A_218 : memref<128x128xf32, #tpu.memory_space<vmem>>) offsets(%dma_start3A_219 : memref<128xi32, #tpu.memory_space<vmem>>) semaphore(%arg11 : memref<!tpu.dma_semaphore, #tpu.memory_space<semaphore_mem>>)
      %mul3A_223 = arith.constant 6 : i32
      %mul3A_224 = arith.muli %scan3A_135, %mul3A_223 : i32
      %add3A_225 = arith.constant 4 : i32
      %add3A_226 = arith.addi %mul3A_224, %add3A_225 : i32
      %sub3A_227 = arith.constant 6 : i32
      %sub3A_228 = arith.subi %add3A_226, %sub3A_227 : i32
      %ge3A_229 = arith.constant 0 : i32
      %ge3A_230 = arith.cmpi sge, %sub3A_228, %ge3A_229 : i32
      %convert_element_type3A_231 = arith.extui %ge3A_230 : i1 to i32
      %cond3A_232 = arith.constant 0 : i32
      %cond3A_233 = arith.cmpi ne, %convert_element_type3A_231, %cond3A_232 : i32
      scf.if %cond3A_233 {
        %mul3A_453 = arith.constant 128 : i32
        %mul3A_454 = arith.muli %sub3A_228, %mul3A_453 : i32
        %add3A_455 = arith.addi %add3A_9, %mul3A_454 : i32
        %dma_wait3A_456 = arith.constant 4 : i32
        %dma_wait3A_457 = arith.constant 0 : i32
        %dma_wait3A_458 = arith.constant 0 : i32
        %dma_wait3A_459 = tpu.memref_slice %arg6[%dma_wait3A_456, %dma_wait3A_457, %dma_wait3A_458] : memref<6x128x128xf32, #tpu.memory_space<vmem>> -> memref<1x128x128xf32, #tpu.memory_space<vmem>>
        %dma_wait3A_460 = tpu.memref_squeeze %dma_wait3A_459 : memref<1x128x128xf32, #tpu.memory_space<vmem>> -> memref<128x128xf32, #tpu.memory_space<vmem>>
        %dma_wait3A_461 = arith.constant 0 : i32
        %dma_wait3A_462 = tpu.memref_slice %arg4[%add3A_455, %dma_wait3A_461] : memref<100000x128xf32, #tpu.memory_space<hbm>> -> memref<128x128xf32, #tpu.memory_space<hbm>>
        %dma_wait3A_463 = arith.constant 0 : i32
        %dma_wait3A_464 = tpu.memref_slice %arg4[%add3A_455, %dma_wait3A_463] : memref<100000x128xf32, #tpu.memory_space<hbm>> -> memref<128x128xf32, #tpu.memory_space<hbm>>
        %dma_wait3A_465 = arith.constant 0 : i32
        %dma_wait3A_466 = arith.constant 0 : i32
        %dma_wait3A_467 = tpu.memref_slice %arg6[%dma_wait3A_456, %dma_wait3A_465, %dma_wait3A_466] : memref<6x128x128xf32, #tpu.memory_space<vmem>> -> memref<1x128x128xf32, #tpu.memory_space<vmem>>
        %dma_wait3A_468 = tpu.memref_squeeze %dma_wait3A_467 : memref<1x128x128xf32, #tpu.memory_space<vmem>> -> memref<128x128xf32, #tpu.memory_space<vmem>>
        tpu.wait_dma2 semaphore(%arg18 : memref<!tpu.dma_semaphore, #tpu.memory_space<semaphore_mem>>) src(%dma_wait3A_468 : memref<128x128xf32, #tpu.memory_space<vmem>>) dst(%dma_wait3A_464 : memref<128x128xf32, #tpu.memory_space<hbm>>)
      } else {
      }
      %mul3A_234 = arith.constant 128 : i32
      %mul3A_235 = arith.muli %add3A_226, %mul3A_234 : i32
      %dma_start3A_236 = arith.constant 4 : i32
      %dma_start3A_237 = arith.constant 0 : i32
      %dma_start3A_238 = arith.constant 0 : i32
      %dma_start3A_239 = tpu.memref_slice %arg6[%dma_start3A_236, %dma_start3A_237, %dma_start3A_238] : memref<6x128x128xf32, #tpu.memory_space<vmem>> -> memref<1x128x128xf32, #tpu.memory_space<vmem>>
      %dma_start3A_240 = tpu.memref_squeeze %dma_start3A_239 : memref<1x128x128xf32, #tpu.memory_space<vmem>> -> memref<128x128xf32, #tpu.memory_space<vmem>>
      %dma_start3A_241 = tpu.memref_slice %arg5[%mul3A_235] : memref<3128xi32, #tpu.memory_space<vmem>> -> memref<128xi32, #tpu.memory_space<vmem>>
      %dma_start3A_242 = arith.constant 0 : i32
      %dma_start3A_243 = arith.constant 0 : i32
      %dma_start3A_244 = tpu.memref_slice %arg7[%dma_start3A_242, %dma_start3A_243] : memref<118x128xf32, #tpu.memory_space<vmem_shared>> -> memref<118x128xf32, #tpu.memory_space<vmem_shared>>
      tpu.enqueue_indirect_dma source(%dma_start3A_244 : memref<118x128xf32, #tpu.memory_space<vmem_shared>>) target(%dma_start3A_240 : memref<128x128xf32, #tpu.memory_space<vmem>>) offsets(%dma_start3A_241 : memref<128xi32, #tpu.memory_space<vmem>>) semaphore(%arg12 : memref<!tpu.dma_semaphore, #tpu.memory_space<semaphore_mem>>)
      %mul3A_245 = arith.constant 6 : i32
      %mul3A_246 = arith.muli %scan3A_135, %mul3A_245 : i32
      %add3A_247 = arith.constant 5 : i32
      %add3A_248 = arith.addi %mul3A_246, %add3A_247 : i32
      %sub3A_249 = arith.constant 6 : i32
      %sub3A_250 = arith.subi %add3A_248, %sub3A_249 : i32
      %ge3A_251 = arith.constant 0 : i32
      %ge3A_252 = arith.cmpi sge, %sub3A_250, %ge3A_251 : i32
      %convert_element_type3A_253 = arith.extui %ge3A_252 : i1 to i32
      %cond3A_254 = arith.constant 0 : i32
      %cond3A_255 = arith.cmpi ne, %convert_element_type3A_253, %cond3A_254 : i32
      scf.if %cond3A_255 {
        %mul3A_453 = arith.constant 128 : i32
        %mul3A_454 = arith.muli %sub3A_250, %mul3A_453 : i32
        %add3A_455 = arith.addi %add3A_9, %mul3A_454 : i32
        %dma_wait3A_456 = arith.constant 5 : i32
        %dma_wait3A_457 = arith.constant 0 : i32
        %dma_wait3A_458 = arith.constant 0 : i32
        %dma_wait3A_459 = tpu.memref_slice %arg6[%dma_wait3A_456, %dma_wait3A_457, %dma_wait3A_458] : memref<6x128x128xf32, #tpu.memory_space<vmem>> -> memref<1x128x128xf32, #tpu.memory_space<vmem>>
        %dma_wait3A_460 = tpu.memref_squeeze %dma_wait3A_459 : memref<1x128x128xf32, #tpu.memory_space<vmem>> -> memref<128x128xf32, #tpu.memory_space<vmem>>
        %dma_wait3A_461 = arith.constant 0 : i32
        %dma_wait3A_462 = tpu.memref_slice %arg4[%add3A_455, %dma_wait3A_461] : memref<100000x128xf32, #tpu.memory_space<hbm>> -> memref<128x128xf32, #tpu.memory_space<hbm>>
        %dma_wait3A_463 = arith.constant 0 : i32
        %dma_wait3A_464 = tpu.memref_slice %arg4[%add3A_455, %dma_wait3A_463] : memref<100000x128xf32, #tpu.memory_space<hbm>> -> memref<128x128xf32, #tpu.memory_space<hbm>>
        %dma_wait3A_465 = arith.constant 0 : i32
        %dma_wait3A_466 = arith.constant 0 : i32
        %dma_wait3A_467 = tpu.memref_slice %arg6[%dma_wait3A_456, %dma_wait3A_465, %dma_wait3A_466] : memref<6x128x128xf32, #tpu.memory_space<vmem>> -> memref<1x128x128xf32, #tpu.memory_space<vmem>>
        %dma_wait3A_468 = tpu.memref_squeeze %dma_wait3A_467 : memref<1x128x128xf32, #tpu.memory_space<vmem>> -> memref<128x128xf32, #tpu.memory_space<vmem>>
        tpu.wait_dma2 semaphore(%arg19 : memref<!tpu.dma_semaphore, #tpu.memory_space<semaphore_mem>>) src(%dma_wait3A_468 : memref<128x128xf32, #tpu.memory_space<vmem>>) dst(%dma_wait3A_464 : memref<128x128xf32, #tpu.memory_space<hbm>>)
      } else {
      }
      %mul3A_256 = arith.constant 128 : i32
      %mul3A_257 = arith.muli %add3A_248, %mul3A_256 : i32
      %dma_start3A_258 = arith.constant 5 : i32
      %dma_start3A_259 = arith.constant 0 : i32
      %dma_start3A_260 = arith.constant 0 : i32
      %dma_start3A_261 = tpu.memref_slice %arg6[%dma_start3A_258, %dma_start3A_259, %dma_start3A_260] : memref<6x128x128xf32, #tpu.memory_space<vmem>> -> memref<1x128x128xf32, #tpu.memory_space<vmem>>
      %dma_start3A_262 = tpu.memref_squeeze %dma_start3A_261 : memref<1x128x128xf32, #tpu.memory_space<vmem>> -> memref<128x128xf32, #tpu.memory_space<vmem>>
      %dma_start3A_263 = tpu.memref_slice %arg5[%mul3A_257] : memref<3128xi32, #tpu.memory_space<vmem>> -> memref<128xi32, #tpu.memory_space<vmem>>
      %dma_start3A_264 = arith.constant 0 : i32
      %dma_start3A_265 = arith.constant 0 : i32
      %dma_start3A_266 = tpu.memref_slice %arg7[%dma_start3A_264, %dma_start3A_265] : memref<118x128xf32, #tpu.memory_space<vmem_shared>> -> memref<118x128xf32, #tpu.memory_space<vmem_shared>>
      tpu.enqueue_indirect_dma source(%dma_start3A_266 : memref<118x128xf32, #tpu.memory_space<vmem_shared>>) target(%dma_start3A_262 : memref<128x128xf32, #tpu.memory_space<vmem>>) offsets(%dma_start3A_263 : memref<128xi32, #tpu.memory_space<vmem>>) semaphore(%arg13 : memref<!tpu.dma_semaphore, #tpu.memory_space<semaphore_mem>>)
      %mul3A_267 = arith.constant 6 : i32
      %mul3A_268 = arith.muli %scan3A_135, %mul3A_267 : i32
      %add3A_269 = arith.constant 0 : i32
      %add3A_270 = arith.addi %mul3A_268, %add3A_269 : i32
      %mul3A_271 = arith.constant 128 : i32
      %mul3A_272 = arith.muli %add3A_270, %mul3A_271 : i32
      %dma_wait3A_273 = arith.constant 0 : i32
      %dma_wait3A_274 = arith.constant 0 : i32
      %dma_wait3A_275 = arith.constant 0 : i32
      %dma_wait3A_276 = tpu.memref_slice %arg6[%dma_wait3A_273, %dma_wait3A_274, %dma_wait3A_275] : memref<6x128x128xf32, #tpu.memory_space<vmem>> -> memref<1x128x128xf32, #tpu.memory_space<vmem>>
      %dma_wait3A_277 = tpu.memref_squeeze %dma_wait3A_276 : memref<1x128x128xf32, #tpu.memory_space<vmem>> -> memref<128x128xf32, #tpu.memory_space<vmem>>
      %dma_wait3A_278 = tpu.memref_slice %arg5[%mul3A_272] : memref<3128xi32, #tpu.memory_space<vmem>> -> memref<128xi32, #tpu.memory_space<vmem>>
      %dma_wait3A_279 = arith.constant 0 : i32
      %dma_wait3A_280 = arith.constant 0 : i32
      %dma_wait3A_281 = tpu.memref_slice %arg7[%dma_wait3A_279, %dma_wait3A_280] : memref<118x128xf32, #tpu.memory_space<vmem_shared>> -> memref<118x128xf32, #tpu.memory_space<vmem_shared>>
      tpu.wait_indirect_dma semaphore(%arg8 : memref<!tpu.dma_semaphore, #tpu.memory_space<semaphore_mem>>) src(%dma_wait3A_281 : memref<118x128xf32, #tpu.memory_space<vmem_shared>>) dst(%dma_wait3A_277 : memref<128x128xf32, #tpu.memory_space<vmem>>)
      %mul3A_282 = arith.constant 128 : i32
      %mul3A_283 = arith.muli %add3A_270, %mul3A_282 : i32
      %add3A_284 = arith.addi %add3A_9, %mul3A_283 : i32
      %dma_start3A_285 = arith.constant 0 : i32
      %dma_start3A_286 = arith.constant 0 : i32
      %dma_start3A_287 = arith.constant 0 : i32
      %dma_start3A_288 = tpu.memref_slice %arg6[%dma_start3A_285, %dma_start3A_286, %dma_start3A_287] : memref<6x128x128xf32, #tpu.memory_space<vmem>> -> memref<1x128x128xf32, #tpu.memory_space<vmem>>
      %dma_start3A_289 = tpu.memref_squeeze %dma_start3A_288 : memref<1x128x128xf32, #tpu.memory_space<vmem>> -> memref<128x128xf32, #tpu.memory_space<vmem>>
      %dma_start3A_290 = arith.constant 0 : i32
      %dma_start3A_291 = tpu.memref_slice %arg4[%add3A_284, %dma_start3A_290] : memref<100000x128xf32, #tpu.memory_space<hbm>> -> memref<128x128xf32, #tpu.memory_space<hbm>>
      %dma_start3A_292 = arith.constant 0 : i32
      %dma_start3A_293 = tpu.memref_slice %arg4[%add3A_284, %dma_start3A_292] : memref<100000x128xf32, #tpu.memory_space<hbm>> -> memref<128x128xf32, #tpu.memory_space<hbm>>
      %dma_start3A_294 = arith.constant 0 : i32
      %dma_start3A_295 = arith.constant 0 : i32
      %dma_start3A_296 = tpu.memref_slice %arg6[%dma_start3A_285, %dma_start3A_294, %dma_start3A_295] : memref<6x128x128xf32, #tpu.memory_space<vmem>> -> memref<1x128x128xf32, #tpu.memory_space<vmem>>
      %dma_start3A_297 = tpu.memref_squeeze %dma_start3A_296 : memref<1x128x128xf32, #tpu.memory_space<vmem>> -> memref<128x128xf32, #tpu.memory_space<vmem>>
      tpu.enqueue_dma source(%dma_start3A_297 : memref<128x128xf32, #tpu.memory_space<vmem>>) target(%dma_start3A_293 : memref<128x128xf32, #tpu.memory_space<hbm>>) target_semaphore(%arg14 : memref<!tpu.dma_semaphore, #tpu.memory_space<semaphore_mem>>)
      %mul3A_298 = arith.constant 6 : i32
      %mul3A_299 = arith.muli %scan3A_135, %mul3A_298 : i32
      %add3A_300 = arith.constant 1 : i32
      %add3A_301 = arith.addi %mul3A_299, %add3A_300 : i32
      %mul3A_302 = arith.constant 128 : i32
      %mul3A_303 = arith.muli %add3A_301, %mul3A_302 : i32
      %dma_wait3A_304 = arith.constant 1 : i32
      %dma_wait3A_305 = arith.constant 0 : i32
      %dma_wait3A_306 = arith.constant 0 : i32
      %dma_wait3A_307 = tpu.memref_slice %arg6[%dma_wait3A_304, %dma_wait3A_305, %dma_wait3A_306] : memref<6x128x128xf32, #tpu.memory_space<vmem>> -> memref<1x128x128xf32, #tpu.memory_space<vmem>>
      %dma_wait3A_308 = tpu.memref_squeeze %dma_wait3A_307 : memref<1x128x128xf32, #tpu.memory_space<vmem>> -> memref<128x128xf32, #tpu.memory_space<vmem>>
      %dma_wait3A_309 = tpu.memref_slice %arg5[%mul3A_303] : memref<3128xi32, #tpu.memory_space<vmem>> -> memref<128xi32, #tpu.memory_space<vmem>>
      %dma_wait3A_310 = arith.constant 0 : i32
      %dma_wait3A_311 = arith.constant 0 : i32
      %dma_wait3A_312 = tpu.memref_slice %arg7[%dma_wait3A_310, %dma_wait3A_311] : memref<118x128xf32, #tpu.memory_space<vmem_shared>> -> memref<118x128xf32, #tpu.memory_space<vmem_shared>>
      tpu.wait_indirect_dma semaphore(%arg9 : memref<!tpu.dma_semaphore, #tpu.memory_space<semaphore_mem>>) src(%dma_wait3A_312 : memref<118x128xf32, #tpu.memory_space<vmem_shared>>) dst(%dma_wait3A_308 : memref<128x128xf32, #tpu.memory_space<vmem>>)
      %mul3A_313 = arith.constant 128 : i32
      %mul3A_314 = arith.muli %add3A_301, %mul3A_313 : i32
      %add3A_315 = arith.addi %add3A_9, %mul3A_314 : i32
      %dma_start3A_316 = arith.constant 1 : i32
      %dma_start3A_317 = arith.constant 0 : i32
      %dma_start3A_318 = arith.constant 0 : i32
      %dma_start3A_319 = tpu.memref_slice %arg6[%dma_start3A_316, %dma_start3A_317, %dma_start3A_318] : memref<6x128x128xf32, #tpu.memory_space<vmem>> -> memref<1x128x128xf32, #tpu.memory_space<vmem>>
      %dma_start3A_320 = tpu.memref_squeeze %dma_start3A_319 : memref<1x128x128xf32, #tpu.memory_space<vmem>> -> memref<128x128xf32, #tpu.memory_space<vmem>>
      %dma_start3A_321 = arith.constant 0 : i32
      %dma_start3A_322 = tpu.memref_slice %arg4[%add3A_315, %dma_start3A_321] : memref<100000x128xf32, #tpu.memory_space<hbm>> -> memref<128x128xf32, #tpu.memory_space<hbm>>
      %dma_start3A_323 = arith.constant 0 : i32
      %dma_start3A_324 = tpu.memref_slice %arg4[%add3A_315, %dma_start3A_323] : memref<100000x128xf32, #tpu.memory_space<hbm>> -> memref<128x128xf32, #tpu.memory_space<hbm>>
      %dma_start3A_325 = arith.constant 0 : i32
      %dma_start3A_326 = arith.constant 0 : i32
      %dma_start3A_327 = tpu.memref_slice %arg6[%dma_start3A_316, %dma_start3A_325, %dma_start3A_326] : memref<6x128x128xf32, #tpu.memory_space<vmem>> -> memref<1x128x128xf32, #tpu.memory_space<vmem>>
      %dma_start3A_328 = tpu.memref_squeeze %dma_start3A_327 : memref<1x128x128xf32, #tpu.memory_space<vmem>> -> memref<128x128xf32, #tpu.memory_space<vmem>>
      tpu.enqueue_dma source(%dma_start3A_328 : memref<128x128xf32, #tpu.memory_space<vmem>>) target(%dma_start3A_324 : memref<128x128xf32, #tpu.memory_space<hbm>>) target_semaphore(%arg15 : memref<!tpu.dma_semaphore, #tpu.memory_space<semaphore_mem>>)
      %mul3A_329 = arith.constant 6 : i32
      %mul3A_330 = arith.muli %scan3A_135, %mul3A_329 : i32
      %add3A_331 = arith.constant 2 : i32
      %add3A_332 = arith.addi %mul3A_330, %add3A_331 : i32
      %mul3A_333 = arith.constant 128 : i32
      %mul3A_334 = arith.muli %add3A_332, %mul3A_333 : i32
      %dma_wait3A_335 = arith.constant 2 : i32
      %dma_wait3A_336 = arith.constant 0 : i32
      %dma_wait3A_337 = arith.constant 0 : i32
      %dma_wait3A_338 = tpu.memref_slice %arg6[%dma_wait3A_335, %dma_wait3A_336, %dma_wait3A_337] : memref<6x128x128xf32, #tpu.memory_space<vmem>> -> memref<1x128x128xf32, #tpu.memory_space<vmem>>
      %dma_wait3A_339 = tpu.memref_squeeze %dma_wait3A_338 : memref<1x128x128xf32, #tpu.memory_space<vmem>> -> memref<128x128xf32, #tpu.memory_space<vmem>>
      %dma_wait3A_340 = tpu.memref_slice %arg5[%mul3A_334] : memref<3128xi32, #tpu.memory_space<vmem>> -> memref<128xi32, #tpu.memory_space<vmem>>
      %dma_wait3A_341 = arith.constant 0 : i32
      %dma_wait3A_342 = arith.constant 0 : i32
      %dma_wait3A_343 = tpu.memref_slice %arg7[%dma_wait3A_341, %dma_wait3A_342] : memref<118x128xf32, #tpu.memory_space<vmem_shared>> -> memref<118x128xf32, #tpu.memory_space<vmem_shared>>
      tpu.wait_indirect_dma semaphore(%arg10 : memref<!tpu.dma_semaphore, #tpu.memory_space<semaphore_mem>>) src(%dma_wait3A_343 : memref<118x128xf32, #tpu.memory_space<vmem_shared>>) dst(%dma_wait3A_339 : memref<128x128xf32, #tpu.memory_space<vmem>>)
      %mul3A_344 = arith.constant 128 : i32
      %mul3A_345 = arith.muli %add3A_332, %mul3A_344 : i32
      %add3A_346 = arith.addi %add3A_9, %mul3A_345 : i32
      %dma_start3A_347 = arith.constant 2 : i32
      %dma_start3A_348 = arith.constant 0 : i32
      %dma_start3A_349 = arith.constant 0 : i32
      %dma_start3A_350 = tpu.memref_slice %arg6[%dma_start3A_347, %dma_start3A_348, %dma_start3A_349] : memref<6x128x128xf32, #tpu.memory_space<vmem>> -> memref<1x128x128xf32, #tpu.memory_space<vmem>>
      %dma_start3A_351 = tpu.memref_squeeze %dma_start3A_350 : memref<1x128x128xf32, #tpu.memory_space<vmem>> -> memref<128x128xf32, #tpu.memory_space<vmem>>
      %dma_start3A_352 = arith.constant 0 : i32
      %dma_start3A_353 = tpu.memref_slice %arg4[%add3A_346, %dma_start3A_352] : memref<100000x128xf32, #tpu.memory_space<hbm>> -> memref<128x128xf32, #tpu.memory_space<hbm>>
      %dma_start3A_354 = arith.constant 0 : i32
      %dma_start3A_355 = tpu.memref_slice %arg4[%add3A_346, %dma_start3A_354] : memref<100000x128xf32, #tpu.memory_space<hbm>> -> memref<128x128xf32, #tpu.memory_space<hbm>>
      %dma_start3A_356 = arith.constant 0 : i32
      %dma_start3A_357 = arith.constant 0 : i32
      %dma_start3A_358 = tpu.memref_slice %arg6[%dma_start3A_347, %dma_start3A_356, %dma_start3A_357] : memref<6x128x128xf32, #tpu.memory_space<vmem>> -> memref<1x128x128xf32, #tpu.memory_space<vmem>>
      %dma_start3A_359 = tpu.memref_squeeze %dma_start3A_358 : memref<1x128x128xf32, #tpu.memory_space<vmem>> -> memref<128x128xf32, #tpu.memory_space<vmem>>
      tpu.enqueue_dma source(%dma_start3A_359 : memref<128x128xf32, #tpu.memory_space<vmem>>) target(%dma_start3A_355 : memref<128x128xf32, #tpu.memory_space<hbm>>) target_semaphore(%arg16 : memref<!tpu.dma_semaphore, #tpu.memory_space<semaphore_mem>>)
      %mul3A_360 = arith.constant 6 : i32
      %mul3A_361 = arith.muli %scan3A_135, %mul3A_360 : i32
      %add3A_362 = arith.constant 3 : i32
      %add3A_363 = arith.addi %mul3A_361, %add3A_362 : i32
      %mul3A_364 = arith.constant 128 : i32
      %mul3A_365 = arith.muli %add3A_363, %mul3A_364 : i32
      %dma_wait3A_366 = arith.constant 3 : i32
      %dma_wait3A_367 = arith.constant 0 : i32
      %dma_wait3A_368 = arith.constant 0 : i32
      %dma_wait3A_369 = tpu.memref_slice %arg6[%dma_wait3A_366, %dma_wait3A_367, %dma_wait3A_368] : memref<6x128x128xf32, #tpu.memory_space<vmem>> -> memref<1x128x128xf32, #tpu.memory_space<vmem>>
      %dma_wait3A_370 = tpu.memref_squeeze %dma_wait3A_369 : memref<1x128x128xf32, #tpu.memory_space<vmem>> -> memref<128x128xf32, #tpu.memory_space<vmem>>
      %dma_wait3A_371 = tpu.memref_slice %arg5[%mul3A_365] : memref<3128xi32, #tpu.memory_space<vmem>> -> memref<128xi32, #tpu.memory_space<vmem>>
      %dma_wait3A_372 = arith.constant 0 : i32
      %dma_wait3A_373 = arith.constant 0 : i32
      %dma_wait3A_374 = tpu.memref_slice %arg7[%dma_wait3A_372, %dma_wait3A_373] : memref<118x128xf32, #tpu.memory_space<vmem_shared>> -> memref<118x128xf32, #tpu.memory_space<vmem_shared>>
      tpu.wait_indirect_dma semaphore(%arg11 : memref<!tpu.dma_semaphore, #tpu.memory_space<semaphore_mem>>) src(%dma_wait3A_374 : memref<118x128xf32, #tpu.memory_space<vmem_shared>>) dst(%dma_wait3A_370 : memref<128x128xf32, #tpu.memory_space<vmem>>)
      %mul3A_375 = arith.constant 128 : i32
      %mul3A_376 = arith.muli %add3A_363, %mul3A_375 : i32
      %add3A_377 = arith.addi %add3A_9, %mul3A_376 : i32
      %dma_start3A_378 = arith.constant 3 : i32
      %dma_start3A_379 = arith.constant 0 : i32
      %dma_start3A_380 = arith.constant 0 : i32
      %dma_start3A_381 = tpu.memref_slice %arg6[%dma_start3A_378, %dma_start3A_379, %dma_start3A_380] : memref<6x128x128xf32, #tpu.memory_space<vmem>> -> memref<1x128x128xf32, #tpu.memory_space<vmem>>
      %dma_start3A_382 = tpu.memref_squeeze %dma_start3A_381 : memref<1x128x128xf32, #tpu.memory_space<vmem>> -> memref<128x128xf32, #tpu.memory_space<vmem>>
      %dma_start3A_383 = arith.constant 0 : i32
      %dma_start3A_384 = tpu.memref_slice %arg4[%add3A_377, %dma_start3A_383] : memref<100000x128xf32, #tpu.memory_space<hbm>> -> memref<128x128xf32, #tpu.memory_space<hbm>>
      %dma_start3A_385 = arith.constant 0 : i32
      %dma_start3A_386 = tpu.memref_slice %arg4[%add3A_377, %dma_start3A_385] : memref<100000x128xf32, #tpu.memory_space<hbm>> -> memref<128x128xf32, #tpu.memory_space<hbm>>
      %dma_start3A_387 = arith.constant 0 : i32
      %dma_start3A_388 = arith.constant 0 : i32
      %dma_start3A_389 = tpu.memref_slice %arg6[%dma_start3A_378, %dma_start3A_387, %dma_start3A_388] : memref<6x128x128xf32, #tpu.memory_space<vmem>> -> memref<1x128x128xf32, #tpu.memory_space<vmem>>
      %dma_start3A_390 = tpu.memref_squeeze %dma_start3A_389 : memref<1x128x128xf32, #tpu.memory_space<vmem>> -> memref<128x128xf32, #tpu.memory_space<vmem>>
      tpu.enqueue_dma source(%dma_start3A_390 : memref<128x128xf32, #tpu.memory_space<vmem>>) target(%dma_start3A_386 : memref<128x128xf32, #tpu.memory_space<hbm>>) target_semaphore(%arg17 : memref<!tpu.dma_semaphore, #tpu.memory_space<semaphore_mem>>)
      %mul3A_391 = arith.constant 6 : i32
      %mul3A_392 = arith.muli %scan3A_135, %mul3A_391 : i32
      %add3A_393 = arith.constant 4 : i32
      %add3A_394 = arith.addi %mul3A_392, %add3A_393 : i32
      %mul3A_395 = arith.constant 128 : i32
      %mul3A_396 = arith.muli %add3A_394, %mul3A_395 : i32
      %dma_wait3A_397 = arith.constant 4 : i32
      %dma_wait3A_398 = arith.constant 0 : i32
      %dma_wait3A_399 = arith.constant 0 : i32
      %dma_wait3A_400 = tpu.memref_slice %arg6[%dma_wait3A_397, %dma_wait3A_398, %dma_wait3A_399] : memref<6x128x128xf32, #tpu.memory_space<vmem>> -> memref<1x128x128xf32, #tpu.memory_space<vmem>>
      %dma_wait3A_401 = tpu.memref_squeeze %dma_wait3A_400 : memref<1x128x128xf32, #tpu.memory_space<vmem>> -> memref<128x128xf32, #tpu.memory_space<vmem>>
      %dma_wait3A_402 = tpu.memref_slice %arg5[%mul3A_396] : memref<3128xi32, #tpu.memory_space<vmem>> -> memref<128xi32, #tpu.memory_space<vmem>>
      %dma_wait3A_403 = arith.constant 0 : i32
      %dma_wait3A_404 = arith.constant 0 : i32
      %dma_wait3A_405 = tpu.memref_slice %arg7[%dma_wait3A_403, %dma_wait3A_404] : memref<118x128xf32, #tpu.memory_space<vmem_shared>> -> memref<118x128xf32, #tpu.memory_space<vmem_shared>>
      tpu.wait_indirect_dma semaphore(%arg12 : memref<!tpu.dma_semaphore, #tpu.memory_space<semaphore_mem>>) src(%dma_wait3A_405 : memref<118x128xf32, #tpu.memory_space<vmem_shared>>) dst(%dma_wait3A_401 : memref<128x128xf32, #tpu.memory_space<vmem>>)
      %mul3A_406 = arith.constant 128 : i32
      %mul3A_407 = arith.muli %add3A_394, %mul3A_406 : i32
      %add3A_408 = arith.addi %add3A_9, %mul3A_407 : i32
      %dma_start3A_409 = arith.constant 4 : i32
      %dma_start3A_410 = arith.constant 0 : i32
      %dma_start3A_411 = arith.constant 0 : i32
      %dma_start3A_412 = tpu.memref_slice %arg6[%dma_start3A_409, %dma_start3A_410, %dma_start3A_411] : memref<6x128x128xf32, #tpu.memory_space<vmem>> -> memref<1x128x128xf32, #tpu.memory_space<vmem>>
      %dma_start3A_413 = tpu.memref_squeeze %dma_start3A_412 : memref<1x128x128xf32, #tpu.memory_space<vmem>> -> memref<128x128xf32, #tpu.memory_space<vmem>>
      %dma_start3A_414 = arith.constant 0 : i32
      %dma_start3A_415 = tpu.memref_slice %arg4[%add3A_408, %dma_start3A_414] : memref<100000x128xf32, #tpu.memory_space<hbm>> -> memref<128x128xf32, #tpu.memory_space<hbm>>
      %dma_start3A_416 = arith.constant 0 : i32
      %dma_start3A_417 = tpu.memref_slice %arg4[%add3A_408, %dma_start3A_416] : memref<100000x128xf32, #tpu.memory_space<hbm>> -> memref<128x128xf32, #tpu.memory_space<hbm>>
      %dma_start3A_418 = arith.constant 0 : i32
      %dma_start3A_419 = arith.constant 0 : i32
      %dma_start3A_420 = tpu.memref_slice %arg6[%dma_start3A_409, %dma_start3A_418, %dma_start3A_419] : memref<6x128x128xf32, #tpu.memory_space<vmem>> -> memref<1x128x128xf32, #tpu.memory_space<vmem>>
      %dma_start3A_421 = tpu.memref_squeeze %dma_start3A_420 : memref<1x128x128xf32, #tpu.memory_space<vmem>> -> memref<128x128xf32, #tpu.memory_space<vmem>>
      tpu.enqueue_dma source(%dma_start3A_421 : memref<128x128xf32, #tpu.memory_space<vmem>>) target(%dma_start3A_417 : memref<128x128xf32, #tpu.memory_space<hbm>>) target_semaphore(%arg18 : memref<!tpu.dma_semaphore, #tpu.memory_space<semaphore_mem>>)
      %mul3A_422 = arith.constant 6 : i32
      %mul3A_423 = arith.muli %scan3A_135, %mul3A_422 : i32
      %add3A_424 = arith.constant 5 : i32
      %add3A_425 = arith.addi %mul3A_423, %add3A_424 : i32
      %mul3A_426 = arith.constant 128 : i32
      %mul3A_427 = arith.muli %add3A_425, %mul3A_426 : i32
      %dma_wait3A_428 = arith.constant 5 : i32
      %dma_wait3A_429 = arith.constant 0 : i32
      %dma_wait3A_430 = arith.constant 0 : i32
      %dma_wait3A_431 = tpu.memref_slice %arg6[%dma_wait3A_428, %dma_wait3A_429, %dma_wait3A_430] : memref<6x128x128xf32, #tpu.memory_space<vmem>> -> memref<1x128x128xf32, #tpu.memory_space<vmem>>
      %dma_wait3A_432 = tpu.memref_squeeze %dma_wait3A_431 : memref<1x128x128xf32, #tpu.memory_space<vmem>> -> memref<128x128xf32, #tpu.memory_space<vmem>>
      %dma_wait3A_433 = tpu.memref_slice %arg5[%mul3A_427] : memref<3128xi32, #tpu.memory_space<vmem>> -> memref<128xi32, #tpu.memory_space<vmem>>
      %dma_wait3A_434 = arith.constant 0 : i32
      %dma_wait3A_435 = arith.constant 0 : i32
      %dma_wait3A_436 = tpu.memref_slice %arg7[%dma_wait3A_434, %dma_wait3A_435] : memref<118x128xf32, #tpu.memory_space<vmem_shared>> -> memref<118x128xf32, #tpu.memory_space<vmem_shared>>
      tpu.wait_indirect_dma semaphore(%arg13 : memref<!tpu.dma_semaphore, #tpu.memory_space<semaphore_mem>>) src(%dma_wait3A_436 : memref<118x128xf32, #tpu.memory_space<vmem_shared>>) dst(%dma_wait3A_432 : memref<128x128xf32, #tpu.memory_space<vmem>>)
      %mul3A_437 = arith.constant 128 : i32
      %mul3A_438 = arith.muli %add3A_425, %mul3A_437 : i32
      %add3A_439 = arith.addi %add3A_9, %mul3A_438 : i32
      %dma_start3A_440 = arith.constant 5 : i32
      %dma_start3A_441 = arith.constant 0 : i32
      %dma_start3A_442 = arith.constant 0 : i32
      %dma_start3A_443 = tpu.memref_slice %arg6[%dma_start3A_440, %dma_start3A_441, %dma_start3A_442] : memref<6x128x128xf32, #tpu.memory_space<vmem>> -> memref<1x128x128xf32, #tpu.memory_space<vmem>>
      %dma_start3A_444 = tpu.memref_squeeze %dma_start3A_443 : memref<1x128x128xf32, #tpu.memory_space<vmem>> -> memref<128x128xf32, #tpu.memory_space<vmem>>
      %dma_start3A_445 = arith.constant 0 : i32
      %dma_start3A_446 = tpu.memref_slice %arg4[%add3A_439, %dma_start3A_445] : memref<100000x128xf32, #tpu.memory_space<hbm>> -> memref<128x128xf32, #tpu.memory_space<hbm>>
      %dma_start3A_447 = arith.constant 0 : i32
      %dma_start3A_448 = tpu.memref_slice %arg4[%add3A_439, %dma_start3A_447] : memref<100000x128xf32, #tpu.memory_space<hbm>> -> memref<128x128xf32, #tpu.memory_space<hbm>>
      %dma_start3A_449 = arith.constant 0 : i32
      %dma_start3A_450 = arith.constant 0 : i32
      %dma_start3A_451 = tpu.memref_slice %arg6[%dma_start3A_440, %dma_start3A_449, %dma_start3A_450] : memref<6x128x128xf32, #tpu.memory_space<vmem>> -> memref<1x128x128xf32, #tpu.memory_space<vmem>>
      %dma_start3A_452 = tpu.memref_squeeze %dma_start3A_451 : memref<1x128x128xf32, #tpu.memory_space<vmem>> -> memref<128x128xf32, #tpu.memory_space<vmem>>
      tpu.enqueue_dma source(%dma_start3A_452 : memref<128x128xf32, #tpu.memory_space<vmem>>) target(%dma_start3A_448 : memref<128x128xf32, #tpu.memory_space<hbm>>) target_semaphore(%arg19 : memref<!tpu.dma_semaphore, #tpu.memory_space<semaphore_mem>>)
    }
    %scan3A_37 = arith.constant 4 : i32
    %add3A_38 = arith.constant 2304 : i32
    %add3A_39 = arith.addi %add3A_9, %add3A_38 : i32
    %dma_wait3A_40 = arith.constant 0 : i32
    %dma_wait3A_41 = arith.constant 0 : i32
    %dma_wait3A_42 = arith.constant 0 : i32
    %dma_wait3A_43 = tpu.memref_slice %arg6[%dma_wait3A_40, %dma_wait3A_41, %dma_wait3A_42] : memref<6x128x128xf32, #tpu.memory_space<vmem>> -> memref<1x128x128xf32, #tpu.memory_space<vmem>>
    %dma_wait3A_44 = tpu.memref_squeeze %dma_wait3A_43 : memref<1x128x128xf32, #tpu.memory_space<vmem>> -> memref<128x128xf32, #tpu.memory_space<vmem>>
    %dma_wait3A_45 = arith.constant 0 : i32
    %dma_wait3A_46 = tpu.memref_slice %arg4[%add3A_39, %dma_wait3A_45] : memref<100000x128xf32, #tpu.memory_space<hbm>> -> memref<128x128xf32, #tpu.memory_space<hbm>>
    %dma_wait3A_47 = arith.constant 0 : i32
    %dma_wait3A_48 = tpu.memref_slice %arg4[%add3A_39, %dma_wait3A_47] : memref<100000x128xf32, #tpu.memory_space<hbm>> -> memref<128x128xf32, #tpu.memory_space<hbm>>
    %dma_wait3A_49 = arith.constant 0 : i32
    %dma_wait3A_50 = arith.constant 0 : i32
    %dma_wait3A_51 = tpu.memref_slice %arg6[%dma_wait3A_40, %dma_wait3A_49, %dma_wait3A_50] : memref<6x128x128xf32, #tpu.memory_space<vmem>> -> memref<1x128x128xf32, #tpu.memory_space<vmem>>
    %dma_wait3A_52 = tpu.memref_squeeze %dma_wait3A_51 : memref<1x128x128xf32, #tpu.memory_space<vmem>> -> memref<128x128xf32, #tpu.memory_space<vmem>>
    tpu.wait_dma2 semaphore(%arg14 : memref<!tpu.dma_semaphore, #tpu.memory_space<semaphore_mem>>) src(%dma_wait3A_52 : memref<128x128xf32, #tpu.memory_space<vmem>>) dst(%dma_wait3A_48 : memref<128x128xf32, #tpu.memory_space<hbm>>)
    %convert_element_type3A_53 = arith.extui %lt3A_1 : i1 to i32
    %cond3A_54 = arith.constant 0 : i32
    %cond3A_55 = arith.cmpi ne, %convert_element_type3A_53, %cond3A_54 : i32
    scf.if %cond3A_55 {
      %dma_start3A_135 = arith.constant 0 : i32
      %dma_start3A_136 = arith.constant 0 : i32
      %dma_start3A_137 = arith.constant 0 : i32
      %dma_start3A_138 = tpu.memref_slice %arg6[%dma_start3A_135, %dma_start3A_136, %dma_start3A_137] : memref<6x128x128xf32, #tpu.memory_space<vmem>> -> memref<1x56x128xf32, #tpu.memory_space<vmem>>
      %dma_start3A_139 = tpu.memref_squeeze %dma_start3A_138 : memref<1x56x128xf32, #tpu.memory_space<vmem>> -> memref<56x128xf32, #tpu.memory_space<vmem>>
      %dma_start3A_140 = arith.constant 3072 : i32
      %dma_start3A_141 = tpu.memref_slice %arg5[%dma_start3A_140] : memref<3128xi32, #tpu.memory_space<vmem>> -> memref<56xi32, #tpu.memory_space<vmem>>
      %dma_start3A_142 = arith.constant 0 : i32
      %dma_start3A_143 = arith.constant 0 : i32
      %dma_start3A_144 = tpu.memref_slice %arg7[%dma_start3A_142, %dma_start3A_143] : memref<118x128xf32, #tpu.memory_space<vmem_shared>> -> memref<118x128xf32, #tpu.memory_space<vmem_shared>>
      tpu.enqueue_indirect_dma source(%dma_start3A_144 : memref<118x128xf32, #tpu.memory_space<vmem_shared>>) target(%dma_start3A_139 : memref<56x128xf32, #tpu.memory_space<vmem>>) offsets(%dma_start3A_141 : memref<56xi32, #tpu.memory_space<vmem>>) semaphore(%arg8 : memref<!tpu.dma_semaphore, #tpu.memory_space<semaphore_mem>>)
      %dma_wait3A_145 = arith.constant 0 : i32
      %dma_wait3A_146 = arith.constant 0 : i32
      %dma_wait3A_147 = arith.constant 0 : i32
      %dma_wait3A_148 = tpu.memref_slice %arg6[%dma_wait3A_145, %dma_wait3A_146, %dma_wait3A_147] : memref<6x128x128xf32, #tpu.memory_space<vmem>> -> memref<1x56x128xf32, #tpu.memory_space<vmem>>
      %dma_wait3A_149 = tpu.memref_squeeze %dma_wait3A_148 : memref<1x56x128xf32, #tpu.memory_space<vmem>> -> memref<56x128xf32, #tpu.memory_space<vmem>>
      %dma_wait3A_150 = arith.constant 3072 : i32
      %dma_wait3A_151 = tpu.memref_slice %arg5[%dma_wait3A_150] : memref<3128xi32, #tpu.memory_space<vmem>> -> memref<56xi32, #tpu.memory_space<vmem>>
      %dma_wait3A_152 = arith.constant 0 : i32
      %dma_wait3A_153 = arith.constant 0 : i32
      %dma_wait3A_154 = tpu.memref_slice %arg7[%dma_wait3A_152, %dma_wait3A_153] : memref<118x128xf32, #tpu.memory_space<vmem_shared>> -> memref<118x128xf32, #tpu.memory_space<vmem_shared>>
      tpu.wait_indirect_dma semaphore(%arg8 : memref<!tpu.dma_semaphore, #tpu.memory_space<semaphore_mem>>) src(%dma_wait3A_154 : memref<118x128xf32, #tpu.memory_space<vmem_shared>>) dst(%dma_wait3A_149 : memref<56x128xf32, #tpu.memory_space<vmem>>)
      %add3A_155 = arith.constant 3072 : i32
      %add3A_156 = arith.addi %add3A_9, %add3A_155 : i32
      %dma_start3A_157 = arith.constant 0 : i32
      %dma_start3A_158 = arith.constant 0 : i32
      %dma_start3A_159 = arith.constant 0 : i32
      %dma_start3A_160 = tpu.memref_slice %arg6[%dma_start3A_157, %dma_start3A_158, %dma_start3A_159] : memref<6x128x128xf32, #tpu.memory_space<vmem>> -> memref<1x56x128xf32, #tpu.memory_space<vmem>>
      %dma_start3A_161 = tpu.memref_squeeze %dma_start3A_160 : memref<1x56x128xf32, #tpu.memory_space<vmem>> -> memref<56x128xf32, #tpu.memory_space<vmem>>
      %dma_start3A_162 = arith.constant 0 : i32
      %dma_start3A_163 = tpu.memref_slice %arg4[%add3A_156, %dma_start3A_162] : memref<100000x128xf32, #tpu.memory_space<hbm>> -> memref<56x128xf32, #tpu.memory_space<hbm>>
      %dma_start3A_164 = arith.constant 0 : i32
      %dma_start3A_165 = tpu.memref_slice %arg4[%add3A_156, %dma_start3A_164] : memref<100000x128xf32, #tpu.memory_space<hbm>> -> memref<56x128xf32, #tpu.memory_space<hbm>>
      %dma_start3A_166 = arith.constant 0 : i32
      %dma_start3A_167 = arith.constant 0 : i32
      %dma_start3A_168 = tpu.memref_slice %arg6[%dma_start3A_157, %dma_start3A_166, %dma_start3A_167] : memref<6x128x128xf32, #tpu.memory_space<vmem>> -> memref<1x56x128xf32, #tpu.memory_space<vmem>>
      %dma_start3A_169 = tpu.memref_squeeze %dma_start3A_168 : memref<1x56x128xf32, #tpu.memory_space<vmem>> -> memref<56x128xf32, #tpu.memory_space<vmem>>
      tpu.enqueue_dma source(%dma_start3A_169 : memref<56x128xf32, #tpu.memory_space<vmem>>) target(%dma_start3A_165 : memref<56x128xf32, #tpu.memory_space<hbm>>) target_semaphore(%arg14 : memref<!tpu.dma_semaphore, #tpu.memory_space<semaphore_mem>>)
      %add3A_170 = arith.constant 3072 : i32
      %add3A_171 = arith.addi %add3A_9, %add3A_170 : i32
      %dma_wait3A_172 = arith.constant 0 : i32
      %dma_wait3A_173 = arith.constant 0 : i32
      %dma_wait3A_174 = arith.constant 0 : i32
      %dma_wait3A_175 = tpu.memref_slice %arg6[%dma_wait3A_172, %dma_wait3A_173, %dma_wait3A_174] : memref<6x128x128xf32, #tpu.memory_space<vmem>> -> memref<1x56x128xf32, #tpu.memory_space<vmem>>
      %dma_wait3A_176 = tpu.memref_squeeze %dma_wait3A_175 : memref<1x56x128xf32, #tpu.memory_space<vmem>> -> memref<56x128xf32, #tpu.memory_space<vmem>>
      %dma_wait3A_177 = arith.constant 0 : i32
      %dma_wait3A_178 = tpu.memref_slice %arg4[%add3A_171, %dma_wait3A_177] : memref<100000x128xf32, #tpu.memory_space<hbm>> -> memref<56x128xf32, #tpu.memory_space<hbm>>
      %dma_wait3A_179 = arith.constant 0 : i32
      %dma_wait3A_180 = tpu.memref_slice %arg4[%add3A_171, %dma_wait3A_179] : memref<100000x128xf32, #tpu.memory_space<hbm>> -> memref<56x128xf32, #tpu.memory_space<hbm>>
      %dma_wait3A_181 = arith.constant 0 : i32
      %dma_wait3A_182 = arith.constant 0 : i32
      %dma_wait3A_183 = tpu.memref_slice %arg6[%dma_wait3A_172, %dma_wait3A_181, %dma_wait3A_182] : memref<6x128x128xf32, #tpu.memory_space<vmem>> -> memref<1x56x128xf32, #tpu.memory_space<vmem>>
      %dma_wait3A_184 = tpu.memref_squeeze %dma_wait3A_183 : memref<1x56x128xf32, #tpu.memory_space<vmem>> -> memref<56x128xf32, #tpu.memory_space<vmem>>
      tpu.wait_dma2 semaphore(%arg14 : memref<!tpu.dma_semaphore, #tpu.memory_space<semaphore_mem>>) src(%dma_wait3A_184 : memref<56x128xf32, #tpu.memory_space<vmem>>) dst(%dma_wait3A_180 : memref<56x128xf32, #tpu.memory_space<hbm>>)
    } else {
    }
    %not3A = arith.constant true
    %not3A_56 = arith.xori %lt3A_1, %not3A : i1
    %convert_element_type3A_57 = arith.extui %not3A_56 : i1 to i32
    %cond3A_58 = arith.constant 0 : i32
    %cond3A_59 = arith.cmpi ne, %convert_element_type3A_57, %cond3A_58 : i32
    scf.if %cond3A_59 {
      %dma_start3A_135 = arith.constant 0 : i32
      %dma_start3A_136 = arith.constant 0 : i32
      %dma_start3A_137 = arith.constant 0 : i32
      %dma_start3A_138 = tpu.memref_slice %arg6[%dma_start3A_135, %dma_start3A_136, %dma_start3A_137] : memref<6x128x128xf32, #tpu.memory_space<vmem>> -> memref<1x48x128xf32, #tpu.memory_space<vmem>>
      %dma_start3A_139 = tpu.memref_squeeze %dma_start3A_138 : memref<1x48x128xf32, #tpu.memory_space<vmem>> -> memref<48x128xf32, #tpu.memory_space<vmem>>
      %dma_start3A_140 = arith.constant 3072 : i32
      %dma_start3A_141 = tpu.memref_slice %arg5[%dma_start3A_140] : memref<3128xi32, #tpu.memory_space<vmem>> -> memref<48xi32, #tpu.memory_space<vmem>>
      %dma_start3A_142 = arith.constant 0 : i32
      %dma_start3A_143 = arith.constant 0 : i32
      %dma_start3A_144 = tpu.memref_slice %arg7[%dma_start3A_142, %dma_start3A_143] : memref<118x128xf32, #tpu.memory_space<vmem_shared>> -> memref<118x128xf32, #tpu.memory_space<vmem_shared>>
      tpu.enqueue_indirect_dma source(%dma_start3A_144 : memref<118x128xf32, #tpu.memory_space<vmem_shared>>) target(%dma_start3A_139 : memref<48x128xf32, #tpu.memory_space<vmem>>) offsets(%dma_start3A_141 : memref<48xi32, #tpu.memory_space<vmem>>) semaphore(%arg8 : memref<!tpu.dma_semaphore, #tpu.memory_space<semaphore_mem>>)
      %dma_wait3A_145 = arith.constant 0 : i32
      %dma_wait3A_146 = arith.constant 0 : i32
      %dma_wait3A_147 = arith.constant 0 : i32
      %dma_wait3A_148 = tpu.memref_slice %arg6[%dma_wait3A_145, %dma_wait3A_146, %dma_wait3A_147] : memref<6x128x128xf32, #tpu.memory_space<vmem>> -> memref<1x48x128xf32, #tpu.memory_space<vmem>>
      %dma_wait3A_149 = tpu.memref_squeeze %dma_wait3A_148 : memref<1x48x128xf32, #tpu.memory_space<vmem>> -> memref<48x128xf32, #tpu.memory_space<vmem>>
      %dma_wait3A_150 = arith.constant 3072 : i32
      %dma_wait3A_151 = tpu.memref_slice %arg5[%dma_wait3A_150] : memref<3128xi32, #tpu.memory_space<vmem>> -> memref<48xi32, #tpu.memory_space<vmem>>
      %dma_wait3A_152 = arith.constant 0 : i32
      %dma_wait3A_153 = arith.constant 0 : i32
      %dma_wait3A_154 = tpu.memref_slice %arg7[%dma_wait3A_152, %dma_wait3A_153] : memref<118x128xf32, #tpu.memory_space<vmem_shared>> -> memref<118x128xf32, #tpu.memory_space<vmem_shared>>
      tpu.wait_indirect_dma semaphore(%arg8 : memref<!tpu.dma_semaphore, #tpu.memory_space<semaphore_mem>>) src(%dma_wait3A_154 : memref<118x128xf32, #tpu.memory_space<vmem_shared>>) dst(%dma_wait3A_149 : memref<48x128xf32, #tpu.memory_space<vmem>>)
      %add3A_155 = arith.constant 3072 : i32
      %add3A_156 = arith.addi %add3A_9, %add3A_155 : i32
      %dma_start3A_157 = arith.constant 0 : i32
      %dma_start3A_158 = arith.constant 0 : i32
      %dma_start3A_159 = arith.constant 0 : i32
      %dma_start3A_160 = tpu.memref_slice %arg6[%dma_start3A_157, %dma_start3A_158, %dma_start3A_159] : memref<6x128x128xf32, #tpu.memory_space<vmem>> -> memref<1x48x128xf32, #tpu.memory_space<vmem>>
      %dma_start3A_161 = tpu.memref_squeeze %dma_start3A_160 : memref<1x48x128xf32, #tpu.memory_space<vmem>> -> memref<48x128xf32, #tpu.memory_space<vmem>>
      %dma_start3A_162 = arith.constant 0 : i32
      %dma_start3A_163 = tpu.memref_slice %arg4[%add3A_156, %dma_start3A_162] : memref<100000x128xf32, #tpu.memory_space<hbm>> -> memref<48x128xf32, #tpu.memory_space<hbm>>
      %dma_start3A_164 = arith.constant 0 : i32
      %dma_start3A_165 = tpu.memref_slice %arg4[%add3A_156, %dma_start3A_164] : memref<100000x128xf32, #tpu.memory_space<hbm>> -> memref<48x128xf32, #tpu.memory_space<hbm>>
      %dma_start3A_166 = arith.constant 0 : i32
      %dma_start3A_167 = arith.constant 0 : i32
      %dma_start3A_168 = tpu.memref_slice %arg6[%dma_start3A_157, %dma_start3A_166, %dma_start3A_167] : memref<6x128x128xf32, #tpu.memory_space<vmem>> -> memref<1x48x128xf32, #tpu.memory_space<vmem>>
      %dma_start3A_169 = tpu.memref_squeeze %dma_start3A_168 : memref<1x48x128xf32, #tpu.memory_space<vmem>> -> memref<48x128xf32, #tpu.memory_space<vmem>>
      tpu.enqueue_dma source(%dma_start3A_169 : memref<48x128xf32, #tpu.memory_space<vmem>>) target(%dma_start3A_165 : memref<48x128xf32, #tpu.memory_space<hbm>>) target_semaphore(%arg14 : memref<!tpu.dma_semaphore, #tpu.memory_space<semaphore_mem>>)
      %add3A_170 = arith.constant 3072 : i32
      %add3A_171 = arith.addi %add3A_9, %add3A_170 : i32
      %dma_wait3A_172 = arith.constant 0 : i32
      %dma_wait3A_173 = arith.constant 0 : i32
      %dma_wait3A_174 = arith.constant 0 : i32
      %dma_wait3A_175 = tpu.memref_slice %arg6[%dma_wait3A_172, %dma_wait3A_173, %dma_wait3A_174] : memref<6x128x128xf32, #tpu.memory_space<vmem>> -> memref<1x48x128xf32, #tpu.memory_space<vmem>>
      %dma_wait3A_176 = tpu.memref_squeeze %dma_wait3A_175 : memref<1x48x128xf32, #tpu.memory_space<vmem>> -> memref<48x128xf32, #tpu.memory_space<vmem>>
      %dma_wait3A_177 = arith.constant 0 : i32
      %dma_wait3A_178 = tpu.memref_slice %arg4[%add3A_171, %dma_wait3A_177] : memref<100000x128xf32, #tpu.memory_space<hbm>> -> memref<48x128xf32, #tpu.memory_space<hbm>>
      %dma_wait3A_179 = arith.constant 0 : i32
      %dma_wait3A_180 = tpu.memref_slice %arg4[%add3A_171, %dma_wait3A_179] : memref<100000x128xf32, #tpu.memory_space<hbm>> -> memref<48x128xf32, #tpu.memory_space<hbm>>
      %dma_wait3A_181 = arith.constant 0 : i32
      %dma_wait3A_182 = arith.constant 0 : i32
      %dma_wait3A_183 = tpu.memref_slice %arg6[%dma_wait3A_172, %dma_wait3A_181, %dma_wait3A_182] : memref<6x128x128xf32, #tpu.memory_space<vmem>> -> memref<1x48x128xf32, #tpu.memory_space<vmem>>
      %dma_wait3A_184 = tpu.memref_squeeze %dma_wait3A_183 : memref<1x48x128xf32, #tpu.memory_space<vmem>> -> memref<48x128xf32, #tpu.memory_space<vmem>>
      tpu.wait_dma2 semaphore(%arg14 : memref<!tpu.dma_semaphore, #tpu.memory_space<semaphore_mem>>) src(%dma_wait3A_184 : memref<48x128xf32, #tpu.memory_space<vmem>>) dst(%dma_wait3A_180 : memref<48x128xf32, #tpu.memory_space<hbm>>)
    } else {
    }
    %add3A_60 = arith.constant 2432 : i32
    %add3A_61 = arith.addi %add3A_9, %add3A_60 : i32
    %dma_wait3A_62 = arith.constant 1 : i32
    %dma_wait3A_63 = arith.constant 0 : i32
    %dma_wait3A_64 = arith.constant 0 : i32
    %dma_wait3A_65 = tpu.memref_slice %arg6[%dma_wait3A_62, %dma_wait3A_63, %dma_wait3A_64] : memref<6x128x128xf32, #tpu.memory_space<vmem>> -> memref<1x128x128xf32, #tpu.memory_space<vmem>>
    %dma_wait3A_66 = tpu.memref_squeeze %dma_wait3A_65 : memref<1x128x128xf32, #tpu.memory_space<vmem>> -> memref<128x128xf32, #tpu.memory_space<vmem>>
    %dma_wait3A_67 = arith.constant 0 : i32
    %dma_wait3A_68 = tpu.memref_slice %arg4[%add3A_61, %dma_wait3A_67] : memref<100000x128xf32, #tpu.memory_space<hbm>> -> memref<128x128xf32, #tpu.memory_space<hbm>>
    %dma_wait3A_69 = arith.constant 0 : i32
    %dma_wait3A_70 = tpu.memref_slice %arg4[%add3A_61, %dma_wait3A_69] : memref<100000x128xf32, #tpu.memory_space<hbm>> -> memref<128x128xf32, #tpu.memory_space<hbm>>
    %dma_wait3A_71 = arith.constant 0 : i32
    %dma_wait3A_72 = arith.constant 0 : i32
    %dma_wait3A_73 = tpu.memref_slice %arg6[%dma_wait3A_62, %dma_wait3A_71, %dma_wait3A_72] : memref<6x128x128xf32, #tpu.memory_space<vmem>> -> memref<1x128x128xf32, #tpu.memory_space<vmem>>
    %dma_wait3A_74 = tpu.memref_squeeze %dma_wait3A_73 : memref<1x128x128xf32, #tpu.memory_space<vmem>> -> memref<128x128xf32, #tpu.memory_space<vmem>>
    tpu.wait_dma2 semaphore(%arg15 : memref<!tpu.dma_semaphore, #tpu.memory_space<semaphore_mem>>) src(%dma_wait3A_74 : memref<128x128xf32, #tpu.memory_space<vmem>>) dst(%dma_wait3A_70 : memref<128x128xf32, #tpu.memory_space<hbm>>)
    %add3A_75 = arith.constant 2560 : i32
    %add3A_76 = arith.addi %add3A_9, %add3A_75 : i32
    %dma_wait3A_77 = arith.constant 2 : i32
    %dma_wait3A_78 = arith.constant 0 : i32
    %dma_wait3A_79 = arith.constant 0 : i32
    %dma_wait3A_80 = tpu.memref_slice %arg6[%dma_wait3A_77, %dma_wait3A_78, %dma_wait3A_79] : memref<6x128x128xf32, #tpu.memory_space<vmem>> -> memref<1x128x128xf32, #tpu.memory_space<vmem>>
    %dma_wait3A_81 = tpu.memref_squeeze %dma_wait3A_80 : memref<1x128x128xf32, #tpu.memory_space<vmem>> -> memref<128x128xf32, #tpu.memory_space<vmem>>
    %dma_wait3A_82 = arith.constant 0 : i32
    %dma_wait3A_83 = tpu.memref_slice %arg4[%add3A_76, %dma_wait3A_82] : memref<100000x128xf32, #tpu.memory_space<hbm>> -> memref<128x128xf32, #tpu.memory_space<hbm>>
    %dma_wait3A_84 = arith.constant 0 : i32
    %dma_wait3A_85 = tpu.memref_slice %arg4[%add3A_76, %dma_wait3A_84] : memref<100000x128xf32, #tpu.memory_space<hbm>> -> memref<128x128xf32, #tpu.memory_space<hbm>>
    %dma_wait3A_86 = arith.constant 0 : i32
    %dma_wait3A_87 = arith.constant 0 : i32
    %dma_wait3A_88 = tpu.memref_slice %arg6[%dma_wait3A_77, %dma_wait3A_86, %dma_wait3A_87] : memref<6x128x128xf32, #tpu.memory_space<vmem>> -> memref<1x128x128xf32, #tpu.memory_space<vmem>>
    %dma_wait3A_89 = tpu.memref_squeeze %dma_wait3A_88 : memref<1x128x128xf32, #tpu.memory_space<vmem>> -> memref<128x128xf32, #tpu.memory_space<vmem>>
    tpu.wait_dma2 semaphore(%arg16 : memref<!tpu.dma_semaphore, #tpu.memory_space<semaphore_mem>>) src(%dma_wait3A_89 : memref<128x128xf32, #tpu.memory_space<vmem>>) dst(%dma_wait3A_85 : memref<128x128xf32, #tpu.memory_space<hbm>>)
    %add3A_90 = arith.constant 2688 : i32
    %add3A_91 = arith.addi %add3A_9, %add3A_90 : i32
    %dma_wait3A_92 = arith.constant 3 : i32
    %dma_wait3A_93 = arith.constant 0 : i32
    %dma_wait3A_94 = arith.constant 0 : i32
    %dma_wait3A_95 = tpu.memref_slice %arg6[%dma_wait3A_92, %dma_wait3A_93, %dma_wait3A_94] : memref<6x128x128xf32, #tpu.memory_space<vmem>> -> memref<1x128x128xf32, #tpu.memory_space<vmem>>
    %dma_wait3A_96 = tpu.memref_squeeze %dma_wait3A_95 : memref<1x128x128xf32, #tpu.memory_space<vmem>> -> memref<128x128xf32, #tpu.memory_space<vmem>>
    %dma_wait3A_97 = arith.constant 0 : i32
    %dma_wait3A_98 = tpu.memref_slice %arg4[%add3A_91, %dma_wait3A_97] : memref<100000x128xf32, #tpu.memory_space<hbm>> -> memref<128x128xf32, #tpu.memory_space<hbm>>
    %dma_wait3A_99 = arith.constant 0 : i32
    %dma_wait3A_100 = tpu.memref_slice %arg4[%add3A_91, %dma_wait3A_99] : memref<100000x128xf32, #tpu.memory_space<hbm>> -> memref<128x128xf32, #tpu.memory_space<hbm>>
    %dma_wait3A_101 = arith.constant 0 : i32
    %dma_wait3A_102 = arith.constant 0 : i32
    %dma_wait3A_103 = tpu.memref_slice %arg6[%dma_wait3A_92, %dma_wait3A_101, %dma_wait3A_102] : memref<6x128x128xf32, #tpu.memory_space<vmem>> -> memref<1x128x128xf32, #tpu.memory_space<vmem>>
    %dma_wait3A_104 = tpu.memref_squeeze %dma_wait3A_103 : memref<1x128x128xf32, #tpu.memory_space<vmem>> -> memref<128x128xf32, #tpu.memory_space<vmem>>
    tpu.wait_dma2 semaphore(%arg17 : memref<!tpu.dma_semaphore, #tpu.memory_space<semaphore_mem>>) src(%dma_wait3A_104 : memref<128x128xf32, #tpu.memory_space<vmem>>) dst(%dma_wait3A_100 : memref<128x128xf32, #tpu.memory_space<hbm>>)
    %add3A_105 = arith.constant 2816 : i32
    %add3A_106 = arith.addi %add3A_9, %add3A_105 : i32
    %dma_wait3A_107 = arith.constant 4 : i32
    %dma_wait3A_108 = arith.constant 0 : i32
    %dma_wait3A_109 = arith.constant 0 : i32
    %dma_wait3A_110 = tpu.memref_slice %arg6[%dma_wait3A_107, %dma_wait3A_108, %dma_wait3A_109] : memref<6x128x128xf32, #tpu.memory_space<vmem>> -> memref<1x128x128xf32, #tpu.memory_space<vmem>>
    %dma_wait3A_111 = tpu.memref_squeeze %dma_wait3A_110 : memref<1x128x128xf32, #tpu.memory_space<vmem>> -> memref<128x128xf32, #tpu.memory_space<vmem>>
    %dma_wait3A_112 = arith.constant 0 : i32
    %dma_wait3A_113 = tpu.memref_slice %arg4[%add3A_106, %dma_wait3A_112] : memref<100000x128xf32, #tpu.memory_space<hbm>> -> memref<128x128xf32, #tpu.memory_space<hbm>>
    %dma_wait3A_114 = arith.constant 0 : i32
    %dma_wait3A_115 = tpu.memref_slice %arg4[%add3A_106, %dma_wait3A_114] : memref<100000x128xf32, #tpu.memory_space<hbm>> -> memref<128x128xf32, #tpu.memory_space<hbm>>
    %dma_wait3A_116 = arith.constant 0 : i32
    %dma_wait3A_117 = arith.constant 0 : i32
    %dma_wait3A_118 = tpu.memref_slice %arg6[%dma_wait3A_107, %dma_wait3A_116, %dma_wait3A_117] : memref<6x128x128xf32, #tpu.memory_space<vmem>> -> memref<1x128x128xf32, #tpu.memory_space<vmem>>
    %dma_wait3A_119 = tpu.memref_squeeze %dma_wait3A_118 : memref<1x128x128xf32, #tpu.memory_space<vmem>> -> memref<128x128xf32, #tpu.memory_space<vmem>>
    tpu.wait_dma2 semaphore(%arg18 : memref<!tpu.dma_semaphore, #tpu.memory_space<semaphore_mem>>) src(%dma_wait3A_119 : memref<128x128xf32, #tpu.memory_space<vmem>>) dst(%dma_wait3A_115 : memref<128x128xf32, #tpu.memory_space<hbm>>)
    %add3A_120 = arith.constant 2944 : i32
    %add3A_121 = arith.addi %add3A_9, %add3A_120 : i32
    %dma_wait3A_122 = arith.constant 5 : i32
    %dma_wait3A_123 = arith.constant 0 : i32
    %dma_wait3A_124 = arith.constant 0 : i32
    %dma_wait3A_125 = tpu.memref_slice %arg6[%dma_wait3A_122, %dma_wait3A_123, %dma_wait3A_124] : memref<6x128x128xf32, #tpu.memory_space<vmem>> -> memref<1x128x128xf32, #tpu.memory_space<vmem>>
    %dma_wait3A_126 = tpu.memref_squeeze %dma_wait3A_125 : memref<1x128x128xf32, #tpu.memory_space<vmem>> -> memref<128x128xf32, #tpu.memory_space<vmem>>
    %dma_wait3A_127 = arith.constant 0 : i32
    %dma_wait3A_128 = tpu.memref_slice %arg4[%add3A_121, %dma_wait3A_127] : memref<100000x128xf32, #tpu.memory_space<hbm>> -> memref<128x128xf32, #tpu.memory_space<hbm>>
    %dma_wait3A_129 = arith.constant 0 : i32
    %dma_wait3A_130 = tpu.memref_slice %arg4[%add3A_121, %dma_wait3A_129] : memref<100000x128xf32, #tpu.memory_space<hbm>> -> memref<128x128xf32, #tpu.memory_space<hbm>>
    %dma_wait3A_131 = arith.constant 0 : i32
    %dma_wait3A_132 = arith.constant 0 : i32
    %dma_wait3A_133 = tpu.memref_slice %arg6[%dma_wait3A_122, %dma_wait3A_131, %dma_wait3A_132] : memref<6x128x128xf32, #tpu.memory_space<vmem>> -> memref<1x128x128xf32, #tpu.memory_space<vmem>>
    %dma_wait3A_134 = tpu.memref_squeeze %dma_wait3A_133 : memref<1x128x128xf32, #tpu.memory_space<vmem>> -> memref<128x128xf32, #tpu.memory_space<vmem>>
    tpu.wait_dma2 semaphore(%arg19 : memref<!tpu.dma_semaphore, #tpu.memory_space<semaphore_mem>>) src(%dma_wait3A_134 : memref<128x128xf32, #tpu.memory_space<vmem>>) dst(%dma_wait3A_130 : memref<128x128xf32, #tpu.memory_space<hbm>>)
    return
  }
}

</mosaic_0001>

<sc_bundles>
// kernel: kernel.3.cloned.1.call-start
scs
__scs_entry_jumppad:
0x0: {  	(pc) =	sbr.rel $0x88, $3  }
0x1: {  	(tag) =	ssettag $0x0;
	lr =	simm.s32 $0x1  }
0x2: {  	[smem:$0x3F9F] =	sst lr;
	_ =	strace $0xD0000000  }
0x3: {  	_ = 	snop  }
0x4: {  	_ = 	snop  }
0x5: {  	_ = 	snop  }
0x6: {  	_ = 	snop  }
0x7: {  	_ = 	snop  }
__scs_overlays_trampoline_lowered:
0x8: {  	[smem:$0x3FAE] =	sst s0  }
0x9: {  	[smem:$0x3FAF] =	sst s1  }
0xa: {  	[smem:$0x3FB0] =	sst s2  }
0xb: {  	[smem:$0x3FB1] =	sst s3  }
0xc: {  	[smem:$0x3FB2] =	sst s4  }
0xd: {  	[smem:$0x3FB3] =	sst s5  }
0xe: {  	[smem:$0x3FB4] =	sst s6  }
0xf: {  	[smem:$0x3FB5] =	sst s7  }
0x10: {  	[smem:$0x3FB6] =	sst s8  }
0x11: {  	[smem:$0x3FB7] =	sst s9;
	s0 =	simm.s32 @!p0 $0x0  }
0x12: {  	s1 =	sld [smem:$0x3F9D];
	s0 =	simm.s32 @p0 $0x1  }
0x13: {  	[smem:$0x3FB8] =	sst s0;
	s0 =	simm.s32 @!p1 $0x0  }
0x14: {  	s2 =	sld [smem:$0x3F9C];
	s0 =	simm.s32 @p1 $0x1  }
0x15: {  	[smem:$0x3FB9] =	sst s0;
	s0 =	simm.s32 @!p2 $0x0  }
0x16: {  	s3 =	sld [smem:$0x3FDB];
	s0 =	simm.s32 @p2 $0x1  }
0x17: {  	s4 =	simm.s32 $0x1BF5;
	[smem:$0x3FBB] =	sst s0  }
0x18: {  	s0 =	sld [smem:$0x3F9E];
	_ =	swait.ge [sflag:s4], $0x0  }
0x19: {  	s7 =	sld [smem:$0x3F9F]  }
0x1a: {  	s8 =	sadd.s32 $0xFFFFE003, lr  }
0x1b: {  	s9 =	sadd.s32 $0xFFFFFEF7, lr;
	s5 =	simm.s32 $0xFFFFFFFF;
	p2 =	slt.u32 s8, $0xFFFFF086  }
0x1c: {  	p1 =	slt.u32 s9, $0xF7A;
	s5 =	simm.s32 @!p2 $0x0  }
0x1d: {  	s5 =	simm.s32 @p1 $0x1;
	p0 =	seq.s32 s7, s2  }
0x1e: {  	s7 =	smul.u32 @!p0 $0xF7A, s2;
	p2 =	seq.s32 @!p0 s5, $0x0  }
0x1f: {  	s9 =	smul.u32 $0xF7A, s1;
	s8 =	simm.s32 @!p0 $0x1BF5;
	p2 =	por !p2, p0  }
0x20: {  	[sflag:s8] =	ssyncset.s32 @!p0 $0xFFFFF086;
	s6 =	sadd.s32 @!p0 s3, s7;
	s7 =	simm.s32 @!p0 $0x108  }
0x21: {  	s3 =	sadd.s32 s3, s9;
	s6 =	sadd.s32 @!p0 $0x88, s6;
	s7 =	simm.s32 @p2 $0x1082  }
0x22: {  	[simem:s7], [sflag:s8] =	dma.local @!p0 [hbm:s6], $0xF7A  }
0x23: {  	s9 =	sor.u32 $0xD0000000, s2;
	s6 =	simm.s32 $0x108;
	_ =	swait.ge @!p0 [sflag:s8], $0x0  }
0x24: {  	s3 =	sadd.s32 $0x88, s3;
	s6 =	simm.s32 @!p1 $0x1082;
	[sflag:s4] =	ssyncset.s32 $0xFFFFF086  }
0x25: {  	[simem:s6], [sflag:s4] =	dma.local [hbm:s3], $0xF7A  }
0x26: {  	[smem:$0x3F9F] =	sst s1;
	(tag) =	ssettag s2;
	_ =	strace s9  }
0x27: {  	s1 =	sld [smem:$0x3FAF]  }
0x28: {  	s2 =	sld [smem:$0x3FB0]  }
0x29: {  	s4 =	sld [smem:$0x3FB2]  }
0x2a: {  	p0 =	seq.s32 s5, $0x0;
	s5 =	sld [smem:$0x3FB3]  }
0x2b: {  	s6 =	sld [smem:$0x3FB4]  }
0x2c: {  	s7 =	sld [smem:$0x3FB5]  }
0x2d: {  	s3 =	simm.s32 $0x108;
	s8 =	sld [smem:$0x3FB6]  }
0x2e: {  	s3 =	simm.s32 @!p0 $0x1082;
	s9 =	sld [smem:$0x3FB7]  }
0x2f: {  	lr =	sadd.s32 s0, s3;
	s0 =	sld [smem:$0x3FAE]  }
0x30: {  	s3 =	sld [smem:$0x3FB1]  }
0x31: {  	[smem:$0x3FBA] =	sst s10  }
0x32: {  	s10 =	sld [smem:$0x3FB8];
	_ =	sdelay $0x3  }
0x33: {  	p0 =	seq.s32 s10, $0x1;
	s10 =	sld [smem:$0x3FBA];
	_ =	sdelay $0x3  }
0x34: {  	[smem:$0x3FBA] =	sst s10  }
0x35: {  	s10 =	sld [smem:$0x3FB9];
	_ =	sdelay $0x3  }
0x36: {  	p1 =	seq.s32 s10, $0x1;
	s10 =	sld [smem:$0x3FBA];
	_ =	sdelay $0x3  }
0x37: {  	[smem:$0x3FBA] =	sst s10  }
0x38: {  	s10 =	sld [smem:$0x3FBB]  }
0x39: {  	_ = 	snop;
	(pc) =	sbr.ind lr, $3  }
0x3a: {  	_ = 	snop  }
0x3b: {  	_ = 	snop  }
0x3c: {  	p2 =	seq.s32 s10, $0x1;
	s10 =	sld [smem:$0x3FBA]  }
0x3d: {  	_ =	shalt  }
0x3e: {  	_ =	shalt  }
0x3f: {  	_ =	shalt  }
0x40: {  	_ =	shalt  }
0x41: {  	_ =	shalt  }
0x42: {  	_ =	shalt  }
0x43: {  	_ =	shalt  }
0x44: {  	_ =	shalt  }
0x45: {  	_ =	shalt  }
0x46: {  	_ =	shalt  }
0x47: {  	_ =	shalt  }
0x48: {  	_ =	shalt  }
0x49: {  	_ =	shalt  }
0x4a: {  	_ =	shalt  }
0x4b: {  	_ =	shalt  }
0x4c: {  	_ =	shalt  }
0x4d: {  	_ =	shalt  }
0x4e: {  	_ =	shalt  }
0x4f: {  	_ =	shalt  }
0x50: {  	_ =	shalt  }
0x51: {  	_ =	shalt  }
0x52: {  	_ =	shalt  }
0x53: {  	_ =	shalt  }
0x54: {  	_ =	shalt  }
0x55: {  	_ =	shalt  }
0x56: {  	_ =	shalt  }
0x57: {  	_ =	shalt  }
0x58: {  	_ =	shalt  }
0x59: {  	_ =	shalt  }
0x5a: {  	_ =	shalt  }
0x5b: {  	_ =	shalt  }
0x5c: {  	_ =	shalt  }
0x5d: {  	_ =	shalt  }
0x5e: {  	_ =	shalt  }
0x5f: {  	_ =	shalt  }
0x60: {  	_ =	shalt  }
0x61: {  	_ =	shalt  }
0x62: {  	_ =	shalt  }
0x63: {  	_ =	shalt  }
0x64: {  	_ =	shalt  }
0x65: {  	_ =	shalt  }
0x66: {  	_ =	shalt  }
0x67: {  	_ =	shalt  }
0x68: {  	_ =	shalt  }
0x69: {  	_ =	shalt  }
0x6a: {  	_ =	shalt  }
0x6b: {  	_ =	shalt  }
0x6c: {  	_ =	shalt  }
0x6d: {  	_ =	shalt  }
0x6e: {  	_ =	shalt  }
0x6f: {  	_ =	shalt  }
0x70: {  	_ =	shalt  }
0x71: {  	_ =	shalt  }
0x72: {  	_ =	shalt  }
0x73: {  	_ =	shalt  }
0x74: {  	_ =	shalt  }
0x75: {  	_ =	shalt  }
0x76: {  	_ =	shalt  }
0x77: {  	_ =	shalt  }
0x78: {  	_ =	shalt  }
0x79: {  	_ =	shalt  }
0x7a: {  	_ =	shalt  }
0x7b: {  	_ =	shalt  }
0x7c: {  	_ =	shalt  }
0x7d: {  	_ =	shalt  }
0x7e: {  	_ =	shalt  }
0x7f: {  	_ =	shalt  }
0x80: {  	_ =	shalt  }
0x81: {  	_ =	shalt  }
0x82: {  	_ =	shalt  }
0x83: {  	_ =	shalt  }
0x84: {  	_ =	shalt  }
0x85: {  	_ =	shalt  }
0x86: {  	_ =	shalt  }
0x87: {  	_ =	shalt  }
.Lfunc_end0:
.L_simem_size_0:
called_computation_lowered:
.L_overlay_start_0:
0x88: {  	s2 =	sld [smem:$0x3FD9]  }
0x89: {  	s3 =	sld [smem:$0x3FFE];
	_ =	sdelay $0x1  }
0x8a: {  	s1 =	srdreg.scid  }
0x8b: {  	s0 =	sand.u32 $0x1, s1  }
0x8c: {  	s18 =	sshll.u32 s0, $0xA;
	s2 =	sadd.s32 s3, s2  }
0x8d: {  	s2 =	sadd.s32 s2, s18  }
0x8e: {  	[smem:$0x3FC6] =	sst s2  }
0x8f: {  	_ = 	snop  }
0x90: {  	s2 =	sld [smem:$0x3FC9]  }
0x91: {  	s19 =	sld [smem:$0x3FC8]  }
0x92: {  	s4 =	sld [smem:$0x3FD0];
	(tm) =	ssettm $0x1  }
0x93: {  	s5 =	sld [smem:$0x3FFB];
	_ =	sdelay $0x3  }
0x94: {  	_ =	strace s5  }
0x95: {  	s5 =	sld [smem:$0x3FFC];
	_ =	sdelay $0x3  }
0x96: {  	_ =	strace s5  }
0x97: {  	s5 =	sld [smem:$0x3FFD];
	_ =	sdelay $0x3  }
0x98: {  	_ =	strace s5  }
0x99: {  	_ =	strace $0x8FFFFFFF  }
0x9a: {  	s20 =	sld [smem:$0x3FDB];
	_ =	sdelay $0x1  }
0x9b: {  	s6 =	simm.s32 $_scs_section_size  }
0x9c: {  	s7 =	simm.s32 $_size__tile_overlayer_lowered;
	s8 =	simm.s32 $_tile_overlayer_lowered  }
0x9d: {  	s23 =	simm.s32 $0x1BFF;
	s22 =	sshll.u32 s8, $0x1;
	s5 =	sadd.s32 s6, s20  }
0x9e: {  	s9 =	simm.s32 $0x0;
	s21 =	sshll.u32 s7, $0x1;
	s7 =	sadd.s32 s22, s5  }
0x9f: {  	[timem:s9], [sflag:s23] =	dma.local [hbm:s7], s21  }
0xa0: {  	_ =	swait.ge [sflag:s23], s21  }
0xa1: {  	s6 =	ssub.s32 $0x0, s21;
	[sflag:s23] =	ssyncset.done $0x0  }
0xa2: {  	[sflag:s23] =	ssyncadd.s32 s6;
	_ =	sdelay $0x1  }
0xa3: {  	s24 =	simm.s32 $0x1B8B  }
0xa4: {  	_ =	swait.ge [sflag:s24], $0x1  }
0xa5: {  	[sflag:s24] =	ssyncset.done $0x0  }
0xa6: {  	s25 =	simm.s32 $0x1B8E;
	[sflag:s24] =	ssyncadd.s32 $0xFFFFFFFF  }
0xa7: {  	s26 =	simm.s32 $execute0_lowered;
	[smem:$0x3FD2] =	sst s25  }
0xa8: {  	s6 =	sshll.u32 s26, $0x1;
	_ =	strace $0x80000046;
	[dreg:$0x1] =	wrdreg $0xFFFFFFFF  }
0xa9: {  	s28 =	simm.s32 $_size_execute0_lowered;
	s5 =	sadd.s32 s5, s6;
	[dreg:$0x0] =	wrdreg $0x0  }
0xaa: {  	s6 =	sshll.u32 s28, $0x1;
	[dreg:$0x2] =	wrdreg s5  }
0xab: {  	[dreg:$0x3] =	wrdreg s6  }
0xac: {  	[dreg:$0x4] =	wrdreg $0xC0  }
0xad: {  	_ =	task [dreg:s9], $0x5FFFF  }
0xae: {  	[dreg:$0x1] =	wrdreg $0xFFFFFFFF  }
0xaf: {  	[dreg:$0x0] =	wrdreg $0x60  }
0xb0: {  	[dreg:$0x2] =	wrdreg s2  }
0xb1: {  	[dreg:$0x3] =	wrdreg s19  }
0xb2: {  	[dreg:$0x4] =	wrdreg s4  }
0xb3: {  	[dreg:$0x5] =	wrdreg $0x18C800  }
0xb4: {  	[dreg:$0x6] =	wrdreg $0x9  }
0xb5: {  	_ =	task.clear_ibuf [dreg:s9], $0x7FFFF;
	_ =	strace $0x90000046  }
0xb6: {  	s29 =	simm.s32 $0x9;
	_ =	strace $0x80000048  }
0xb7: {  	_ =	swait.ge [sflag:s29], $0x1  }
0xb8: {  	[sflag:s29] =	ssyncadd.s32 $0xFFFFFFFF  }
0xb9: {  	_ =	strace $0x90000048  }
0xba: {  	_ =	sfence  }
0xbb: {  	s30 =	sld [smem:$0x0];
	_ =	sdelay $0x2  }
0xbc: {  	s31 =	sshll.u32 s1, $0xD;
	s1 =	sshrl.u32 s1, $0x2  }
0xbd: {  	s3 =	sand.u32 $0x4000, s31;
	s1 =	sadd.s32 s1, s30  }
0xbe: {  	s0 =	sor.u32 s3, s0;
	s1 =	sshll.u32 s1, $0x11  }
0xbf: {  	s0 =	sor.u32 s1, s0  }
0xc0: {  	s0 =	sadd.s32 $0x8F2B, s0  }
0xc1: {  	[sflag:s0] =	ssyncadd.remote.s32 $0x1  }
0xc2: {  	_ =	sfence.sel $0xFFFF  }
0xc3: {  	[dreg:$0x0] =	wrdreg $0xFFFFFFFF;
	(pc) =	sbr.abs _section_cstart, $3  }
0xc4: {  	[dreg:$0x1] =	wrdreg $0xFFFFFFFF  }
0xc5: {  	_ =	task.clear_ibuf [dreg:s9], $0x2FFFF;
	_ =	strace $0x9FFFFFFF  }
0xc6: {  	(tm) =	ssettm $0x7FFFFFFF  }
0xc7: {  	_ =	shalt  }
tec
execute0_lowered:
.L_overlay_start_1:
0x0: {  	(tag) =	ssettag $0x1  }
0x1: {  	s0 =	srdreg.scid;
	s6 =	rddreg [dreg:$0x0]  }
0x2: {  	s11 =	stileid.u32;
	s7 =	rddreg [dreg:$0x1]  }
0x3: {  	s3 =	rddreg [dreg:$0x3];
	s0 =	sand.u32 $0x1, s0;
	s1 =	sshll.u32 s11, $0x1  }
0x4: {  	s22 =	simm.s32 $0x80;
	s23 =	simm.s32 $0xC80;
	s1 =	sor.u32 s0, s1  }
0x5: {  	s24 =	simm.s32 $0x4C80;
	s25 =	simm.s32 $0x8C80;
	s2 =	smin.u32 s1, $0x14  }
0x6: {  	s26 =	simm.s32 $0xCC80;
	s1 =	smax.u32 s1, $0x14;
	s4 =	smul.u32 $0xC38, s2  }
0x7: {  	s28 =	simm.s32 $0x10C80;
	s29 =	simm.s32 $0xA;
	s1 =	smul.u32 $0xC30, s1  }
0x8: {  	s17 =	sadd.s32 $0x700, s7;
	s9 =	sshll.u32 s11, $0x7;
	s0 =	ssub.s32 $0x2, s0  }
0x9: {  	s2 =	rddreg [dreg:$0x2];
	s1 =	sadd.s32 s4, s1;
	s4 =	simm.s32 $0x0  }
0xa: {  	s7 =	sadd.s32 s7, s9;
	s16 =	sshrl.u32 s0, $0x1;
	[smem:$0x7FF] =	sst s4  }
0xb: {  	s0 =	ssub.s32 s0, s16;
	_ =	strace $0x80000047;
	[dreg:$0xc] =	wrdreg s17  }
0xc: {  	s30 =	simm.s32 $0xB;
	s0 =	smax.u32 s0, $0x1;
	[dreg:$0xe] =	wrdreg s7  }
0xd: {  	s31 =	simm.s32 $0xC;
	s19 =	sshll.u32 s11, $0xA;
	[dreg:$0xf] =	wrdreg s0  }
0xe: {  	p0 =	sgt.u32 s11, $0x9;
	s20 =	sshll.u32 s11, $0x6;
	[dreg:$0x5] =	wrdreg s22  }
0xf: {  	p1 =	sne.s32 s11, $0xE;
	p2 =	sgt.u32 s11, $0xD;
	[dreg:$0x6] =	wrdreg s23  }
0x10: {  	s5 =	sadd.s32 $0xFFFF0C40, s1;
	s1 =	sadd.s32 $0x3800, s3;
	[dreg:$0x7] =	wrdreg s24  }
0x11: {  	s8 =	sshrl.u32 s5, $0x3;
	s18 =	sshll.u32 s5, $0x4;
	[dreg:$0x8] =	wrdreg s25  }
0x12: {  	s0 =	sor.u32 $0x1C0E, s20;
	s17 =	simm.s32 $0x14C80;
	[dreg:$0x9] =	wrdreg s26  }
0x13: {  	s20 =	simm.s32 $0x3;
	s22 =	simm.s32 $0x5;
	[dreg:$0xa] =	wrdreg s28  }
0x14: {  	s23 =	simm.s32 $0x6;
	s8 =	sadd.s32 s6, s8;
	s6 =	sand.u32 $0x1FFFFF80, s18  }
0x15: {  	[dreg:$0x10] =	wrdreg s0;
	s18 =	simm.s32 $0x1;
	s0 =	sshrl.u32 @!p1 s1, $0x3  }
0x16: {  	s1 =	simm.s32 $0x0;
	[dreg:$0xb] =	wrdreg s8;
	s8 =	sadd.s32 $0x186, s8  }
0x17: {  	s6 =	sadd.s32 s2, s6;
	[dreg:$0xd] =	wrdreg s8;
	s8 =	sadd.s32 s19, s3  }
0x18: {  	[dreg:$0x12] =	wrdreg s0;
	s10 =	sadd.s32 $0xC000, s6;
	s21 =	sshrl.u32 s8, $0x3  }
0x19: {  	s19 =	simm.s32 $0x2;
	[dreg:$0x11] =	wrdreg s21;
	s21 =	simm.s32 $0x4  }
.LBB2_1:
.Ltmp0:
0x1a: {  	(pc) =	sbr.rel @p0 .LBB2_3-.Ltmp0, $3  }
0x1b: {  	_ =	sdelay $0x1  }
0x1c: {  	s0 =	rddreg [dreg:$0xb]  }
0x1d: {  	[tilespmem:s4], [sflag:$0xD] =	stream.linear.gather [hbm4b:s0+s4], $0xC30, $0x38;
	[tilespmem:$0x19030] =	vst v63  }
.Ltmp1:
0x1e: {  	(pc) =	sbr.rel .LBB2_4-.Ltmp1, $3  }
0x1f: {  	_ =	sdelay $0x1  }
0x20: {  	s0 =	rddreg [dreg:$0xd];
	s6 =	simm.s32 $0xC30  }
0x21: {  	[tilespmem:s6], [sflag:$0xD] =	stream.linear.gather [hbm4b:s0+s4], $0x8, $0x38;
	[tilespmem:$0x19030] =	vst v63  }
.LBB2_3:
.Ltmp2:
0x22: {  	(pc) =	sbr.rel @p2 .LBB2_5-.Ltmp2, $1  }
0x23: {  	_ =	sdelay $0x3  }
.LBB2_4:
0x24: {  	s0 =	rddreg [dreg:$0xe]  }
0x25: {  	s6 =	rddreg [dreg:$0x10]  }
.Ltmp3:
0x26: {  	s7 =	rddreg [dreg:$0x11];
	s28 =	simm.s32 $0xE;
	(pc) =	sbr.rel .LBB2_6-.Ltmp3, $4  }
0x27: {  	[spmem:s7], [sflag:s6] =	dma.local [hbm:s0], $0x80  }
0x28: {  	_ =	swait.ge [sflag:s28], $0x80  }
0x29: {  	[sflag:s28] =	ssyncset.done $0x0  }
0x2a: {  	[sflag:s28] =	ssyncadd.s32 $0xFFFFFF80  }
.LBB2_5:
0x2b: {  	s6 =	rddreg [dreg:$0xc]  }
0x2c: {  	s0 =	simm.s32 @!p1 $0x1F8E;
	s7 =	rddreg [dreg:$0x12]  }
0x2d: {  	[spmem:s7], [sflag:s0] =	dma.local @!p1 [hbm:s6], $0x60  }
0x2e: {  	s0 =	simm.s32 @!p1 $0xE  }
0x2f: {  	_ =	swait.ge @!p1 [sflag:s0], $0x60  }
0x30: {  	[sflag:s0] =	ssyncset.done @!p1 $0x0  }
0x31: {  	[sflag:s0] =	ssyncadd.s32 @!p1 $0xFFFFFFA0  }
.LBB2_6:
0x32: {  	[bflag:$0x0] =	sbarrier.arrive $0xFFFF;
	s0 =	simm.s32 $0xD  }
0x33: {  	_ =	swait.ge [sflag:s0], $0xC30  }
0x34: {  	[sflag:s0] =	ssyncset.done $0x0  }
0x35: {  	[sflag:s0] =	ssyncadd.s32 $0xFFFFF3D0;
	s0 =	simm.s32 @!p0 $0xD  }
0x36: {  	_ =	swait.ge @!p0 [sflag:s0], $0x8  }
0x37: {  	p3 =	por $0x0, $0x0;
	[sflag:s0] =	ssyncset.done @!p0 $0x0  }
0x38: {  	[sflag:s0] =	ssyncadd.s32 @!p0 $0xFFFFFFF8;
	s0 =	simm.s32 @p3 $0x7  }
0x39: {  	_ =	swait.ge @p3 [sflag:s0], $0x4000  }
0x3a: {  	s6 =	simm.s32 @p3 $0x0;
	s7 =	simm.s32 @p3 $0x80;
	[sflag:s0] =	ssyncset.done @p3 $0x0  }
0x3b: {  	s8 =	simm.s32 @p3 $0x8;
	[sflag:s0] =	ssyncadd.s32 @p3 $0xFFFFC000;
	s0 =	simm.s32 @p3 $0xC80  }
0x3c: {  	[tilespmem:s0], [sflag:$0x1] =	stream.indirect.gather @p3 [spmem:s3], $0x80, s6, s7, $0xb8;
	[tilespmem:$0x19030] =	vst v63  }
0x3d: {  	_ =	swait.ge @p3 [sflag:s8], $0x4000  }
0x3e: {  	s0 =	simm.s32 @p3 $0x80;
	[sflag:s8] =	ssyncset.done @p3 $0x0  }
0x3f: {  	s6 =	simm.s32 @p3 $0x4C80;
	[sflag:s8] =	ssyncadd.s32 @p3 $0xFFFFC000;
	s8 =	simm.s32 @p3 $0x9  }
0x40: {  	[tilespmem:s6], [sflag:$0x2] =	stream.indirect.gather @p3 [spmem:s3], $0x80, s0, s7, $0xb8;
	[tilespmem:$0x19030] =	vst v63  }
0x41: {  	_ =	swait.ge @p3 [sflag:s8], $0x4000  }
0x42: {  	s0 =	simm.s32 @p3 $0x100;
	[sflag:s8] =	ssyncset.done @p3 $0x0  }
0x43: {  	s6 =	simm.s32 @p3 $0x8C80;
	[sflag:s8] =	ssyncadd.s32 @p3 $0xFFFFC000;
	s8 =	simm.s32 @p3 $0xA  }
0x44: {  	[tilespmem:s6], [sflag:$0x3] =	stream.indirect.gather @p3 [spmem:s3], $0x80, s0, s7, $0xb8;
	[tilespmem:$0x19030] =	vst v63  }
0x45: {  	_ =	swait.ge @p3 [sflag:s8], $0x4000  }
0x46: {  	s0 =	simm.s32 @p3 $0x180;
	[sflag:s8] =	ssyncset.done @p3 $0x0  }
0x47: {  	s6 =	simm.s32 @p3 $0xCC80;
	[sflag:s8] =	ssyncadd.s32 @p3 $0xFFFFC000;
	s8 =	simm.s32 @p3 $0xB  }
0x48: {  	[tilespmem:s6], [sflag:$0x4] =	stream.indirect.gather @p3 [spmem:s3], $0x80, s0, s7, $0xb8;
	[tilespmem:$0x19030] =	vst v63  }
0x49: {  	_ =	swait.ge @p3 [sflag:s8], $0x4000  }
0x4a: {  	s9 =	simm.s32 @p3 $0xC;
	[sflag:s8] =	ssyncset.done @p3 $0x0  }
0x4b: {  	s0 =	simm.s32 $0x200;
	s6 =	simm.s32 @p3 $0x10C80;
	[sflag:s8] =	ssyncadd.s32 @p3 $0xFFFFC000  }
0x4c: {  	[tilespmem:s6], [sflag:$0x5] =	stream.indirect.gather @p3 [spmem:s3], $0x80, s0, s7, $0xb8;
	[tilespmem:$0x19030] =	vst v63  }
0x4d: {  	_ =	swait.ge @p3 [sflag:s9], $0x4000  }
0x4e: {  	s0 =	simm.s32 @!p3 $0x80;
	[sflag:s9] =	ssyncset.done @p3 $0x0  }
0x4f: {  	s6 =	simm.s32 @!p3 $0x0;
	s7 =	simm.s32 @!p3 $0xC80;
	[sflag:s9] =	ssyncadd.s32 @p3 $0xFFFFC000  }
0x50: {  	[tilespmem:s7], [sflag:$0x1] =	stream.indirect.gather @!p3 [spmem:s3], $0x80, s6, s0, $0xb8;
	[tilespmem:$0x19030] =	vst v63  }
0x51: {  	s6 =	simm.s32 @!p3 $0x4C80  }
0x52: {  	[tilespmem:s6], [sflag:$0x2] =	stream.indirect.gather @!p3 [spmem:s3], $0x80, s0, s0, $0xb8;
	[tilespmem:$0x19030] =	vst v63  }
0x53: {  	s8 =	simm.s32 @!p3 $0x8C80;
	s7 =	simm.s32 @!p3 $0x100;
	s6 =	simm.s32 @p3 $0x0  }
0x54: {  	[tilespmem:s8], [sflag:$0x3] =	stream.indirect.gather @!p3 [spmem:s3], $0x80, s7, s0, $0xb8;
	[tilespmem:$0x19030] =	vst v63  }
0x55: {  	s25 =	rddreg [dreg:$0x5];
	s6 =	simm.s32 @!p3 $0x0;
	s7 =	simm.s32 @!p3 $0x180  }
0x56: {  	s8 =	simm.s32 @!p3 $0xCC80;
	s26 =	sadd.s32 $0x280, s6;
	s6 =	sadd.s32 s5, s6  }
0x57: {  	[tilespmem:s8], [sflag:$0x4] =	stream.indirect.gather @!p3 [spmem:s3], $0x80, s7, s0, $0xb8;
	[tilespmem:$0x19030] =	vst v63  }
0x58: {  	s6 =	sshll.u32 s6, $0x4;
	s7 =	simm.s32 @!p3 $0x200;
	s8 =	simm.s32 @!p3 $0x10C80  }
0x59: {  	[tilespmem:s8], [sflag:$0x5] =	stream.indirect.gather @!p3 [spmem:s3], $0x80, s7, s0, $0xb8;
	[tilespmem:$0x19030] =	vst v63  }
0x5a: {  	s6 =	sadd.s32 s2, s6;
	s8 =	simm.s32 @p3 $0x80;
	s0 =	simm.s32 $0x500  }
0x5b: {  	[tilespmem:s17], [sflag:$0x6] =	stream.indirect.gather [spmem:s3], $0x80, s26, s25, $0xb8;
	[tilespmem:$0x19030] =	vst v63  }
0x5c: {  	s7 =	simm.s32 $0x800;
	s8 =	simm.s32 @!p3 $0x80;
	_ =	swait.ge [sflag:s18], $0x4000  }
0x5d: {  	s9 =	sadd.s32 s5, s8;
	s8 =	simm.s32 @p3 $0x100;
	[sflag:s18] =	ssyncset.done $0x0  }
0x5e: {  	s8 =	simm.s32 @!p3 $0x100;
	s28 =	rddreg [dreg:$0x6];
	[sflag:s18] =	ssyncadd.s32 $0xFFFFC000  }
0x5f: {  	[hbm4b:s6+s4] =	stream.linear.scatter [tilespmem:s28], [sflag:$0x7], $0x4000, $0x38;
	[tilespmem:$0x19030] =	vst v63  }
0x60: {  	s12 =	sadd.s32 s5, s8;
	s8 =	simm.s32 @p3 $0x180;
	_ =	swait.ge [sflag:s19], $0x4000  }
0x61: {  	s8 =	simm.s32 @!p3 $0x180;
	s6 =	sshll.u32 s9, $0x4;
	[sflag:s19] =	ssyncset.done $0x0  }
0x62: {  	s6 =	sadd.s32 s2, s6;
	s11 =	rddreg [dreg:$0x7];
	[sflag:s19] =	ssyncadd.s32 $0xFFFFC000  }
0x63: {  	[hbm4b:s6+s4] =	stream.linear.scatter [tilespmem:s11], [sflag:$0x8], $0x4000, $0x38;
	[tilespmem:$0x19030] =	vst v63  }
0x64: {  	s25 =	sadd.s32 s5, s26;
	s14 =	sadd.s32 s5, s8;
	_ =	swait.ge [sflag:s20], $0x4000  }
0x65: {  	s8 =	simm.s32 $0x200;
	s6 =	sshll.u32 s12, $0x4;
	[sflag:s20] =	ssyncset.done $0x0  }
0x66: {  	s6 =	sadd.s32 s2, s6;
	s13 =	rddreg [dreg:$0x8];
	[sflag:s20] =	ssyncadd.s32 $0xFFFFC000  }
0x67: {  	[hbm4b:s6+s4] =	stream.linear.scatter [tilespmem:s13], [sflag:$0x9], $0x4000, $0x38;
	[tilespmem:$0x19030] =	vst v63  }
0x68: {  	s28 =	sshll.u32 s25, $0x4;
	s8 =	simm.s32 @!p3 $0x200;
	_ =	swait.ge [sflag:s21], $0x4000  }
0x69: {  	s16 =	sadd.s32 s5, s8;
	s6 =	sshll.u32 s14, $0x4;
	[sflag:s21] =	ssyncset.done $0x0  }
0x6a: {  	s6 =	sadd.s32 s2, s6;
	s15 =	rddreg [dreg:$0x9];
	[sflag:s21] =	ssyncadd.s32 $0xFFFFC000  }
0x6b: {  	[hbm4b:s6+s4] =	stream.linear.scatter [tilespmem:s15], [sflag:$0xA], $0x4000, $0x38;
	[tilespmem:$0x19030] =	vst v63  }
0x6c: {  	p3 =	por $0x1, $0x1;
	s6 =	sshll.u32 s16, $0x4;
	_ =	swait.ge [sflag:s22], $0x4000  }
0x6d: {  	s12 =	simm.s32 $0x500;
	s26 =	sadd.s32 s2, s6;
	[sflag:s22] =	ssyncset.done $0x0  }
0x6e: {  	s6 =	sadd.s32 s2, s28;
	s24 =	rddreg [dreg:$0xa];
	[sflag:s22] =	ssyncadd.s32 $0xFFFFC000  }
0x6f: {  	[hbm4b:s26+s4] =	stream.linear.scatter [tilespmem:s24], [sflag:$0xB], $0x4000, $0x38;
	[tilespmem:$0x19030] =	vst v63  }
.LBB2_7:
0x70: {  	_ =	swait.ge [sflag:s23], $0x4000  }
0x71: {  	[sflag:s23] =	ssyncset.done $0x0  }
0x72: {  	s9 =	simm.s32 @p3 $0x7;
	[sflag:s23] =	ssyncadd.s32 $0xFFFFC000  }
0x73: {  	[hbm4b:s6+s4] =	stream.linear.scatter [tilespmem:s17], [sflag:$0xC], $0x4000, $0x38;
	[tilespmem:$0x19030] =	vst v63  }
0x74: {  	s25 =	sadd.s32 @p3 $0xFFFFFE00, s0;
	s13 =	sadd.s32 @p3 $0xFFFFFE80, s0;
	_ =	swait.ge @p3 [sflag:s9], $0x4000  }
0x75: {  	s15 =	simm.s32 @p3 $0x80;
	s14 =	simm.s32 @p3 $0x8;
	[sflag:s9] =	ssyncset.done @p3 $0x0  }
0x76: {  	s6 =	sadd.s32 @p3 $0xFFFFFE00, s12;
	[sflag:s9] =	ssyncadd.s32 @p3 $0xFFFFC000;
	s9 =	simm.s32 @p3 $0xC80  }
0x77: {  	[tilespmem:s9], [sflag:$0x1] =	stream.indirect.gather @p3 [spmem:s3], $0x80, s6, s15, $0xb8;
	[tilespmem:$0x19030] =	vst v63  }
0x78: {  	s16 =	simm.s32 @p3 $0x4C80;
	s13 =	simm.s32 @!p3 $0x80;
	_ =	swait.ge @p3 [sflag:s14], $0x4000  }
0x79: {  	s13 =	sadd.s32 s5, s13;
	s6 =	sadd.s32 @p3 $0xFFFFFE80, s12;
	[sflag:s14] =	ssyncset.done @p3 $0x0  }
0x7a: {  	s9 =	sshll.u32 s13, $0x4;
	s13 =	simm.s32 @p3 $0x9;
	[sflag:s14] =	ssyncadd.s32 @p3 $0xFFFFC000  }
0x7b: {  	[tilespmem:s16], [sflag:$0x2] =	stream.indirect.gather @p3 [spmem:s3], $0x80, s6, s15, $0xb8;
	[tilespmem:$0x19030] =	vst v63  }
0x7c: {  	s11 =	smov.u32 s7;
	s24 =	sadd.s32 @p3 $0xFFFFFF00, s0;
	_ =	swait.ge @p3 [sflag:s13], $0x4000  }
0x7d: {  	s26 =	simm.s32 @p3 $0xA;
	s24 =	simm.s32 @!p3 $0x100;
	[sflag:s13] =	ssyncset.done @p3 $0x0  }
0x7e: {  	s14 =	simm.s32 @p3 $0x8C80;
	s6 =	sadd.s32 @p3 $0xFFFFFF00, s12;
	[sflag:s13] =	ssyncadd.s32 @p3 $0xFFFFC000  }
0x7f: {  	[tilespmem:s14], [sflag:$0x3] =	stream.indirect.gather @p3 [spmem:s3], $0x80, s6, s15, $0xb8;
	[tilespmem:$0x19030] =	vst v63  }
0x80: {  	s28 =	simm.s32 @p3 $0xC;
	s24 =	sadd.s32 s5, s24;
	_ =	swait.ge @p3 [sflag:s26], $0x4000  }
0x81: {  	s13 =	sshll.u32 s24, $0x4;
	s24 =	simm.s32 @p3 $0xB;
	[sflag:s26] =	ssyncset.done @p3 $0x0  }
0x82: {  	s6 =	sadd.s32 @p3 $0xFFFFFF80, s12;
	s14 =	simm.s32 @p3 $0xCC80;
	[sflag:s26] =	ssyncadd.s32 @p3 $0xFFFFC000  }
0x83: {  	[tilespmem:s14], [sflag:$0x4] =	stream.indirect.gather @p3 [spmem:s3], $0x80, s6, s15, $0xb8;
	[tilespmem:$0x19030] =	vst v63  }
0x84: {  	s16 =	sadd.s32 @p3 $0xFFFFFF80, s0;
	s0 =	simm.s32 @!p3 $0x200;
	_ =	swait.ge @p3 [sflag:s24], $0x4000  }
0x85: {  	s16 =	simm.s32 @!p3 $0x180;
	s0 =	sadd.s32 s5, s0;
	[sflag:s24] =	ssyncset.done @p3 $0x0  }
0x86: {  	s16 =	sadd.s32 s5, s16;
	s26 =	simm.s32 @p3 $0x10C80;
	[sflag:s24] =	ssyncadd.s32 @p3 $0xFFFFC000  }
0x87: {  	[tilespmem:s26], [sflag:$0x5] =	stream.indirect.gather @p3 [spmem:s3], $0x80, s12, s15, $0xb8;
	[tilespmem:$0x19030] =	vst v63  }
0x88: {  	s6 =	sshll.u32 s16, $0x4;
	s14 =	sshll.u32 s0, $0x4;
	_ =	swait.ge @p3 [sflag:s28], $0x4000  }
0x89: {  	s16 =	simm.s32 @!p3 $0x0;
	s0 =	smov.u32 s11;
	[sflag:s28] =	ssyncset.done @p3 $0x0  }
0x8a: {  	s11 =	simm.s32 @!p3 $0xC80;
	s15 =	simm.s32 @!p3 $0x80;
	[sflag:s28] =	ssyncadd.s32 @p3 $0xFFFFC000  }
0x8b: {  	[tilespmem:s11], [sflag:$0x1] =	stream.indirect.gather @!p3 [spmem:s3], $0x80, s16, s15, $0xb8;
	[tilespmem:$0x19030] =	vst v63  }
0x8c: {  	s11 =	simm.s32 @!p3 $0x4C80  }
0x8d: {  	[tilespmem:s11], [sflag:$0x2] =	stream.indirect.gather @!p3 [spmem:s3], $0x80, s15, s15, $0xb8;
	[tilespmem:$0x19030] =	vst v63  }
0x8e: {  	s16 =	simm.s32 @!p3 $0x8C80;
	s11 =	simm.s32 @!p3 $0x100  }
0x8f: {  	[tilespmem:s16], [sflag:$0x3] =	stream.indirect.gather @!p3 [spmem:s3], $0x80, s11, s15, $0xb8;
	[tilespmem:$0x19030] =	vst v63  }
0x90: {  	s11 =	simm.s32 @!p3 $0x180;
	s16 =	simm.s32 @!p3 $0xCC80  }
0x91: {  	[tilespmem:s16], [sflag:$0x4] =	stream.indirect.gather @!p3 [spmem:s3], $0x80, s11, s15, $0xb8;
	[tilespmem:$0x19030] =	vst v63  }
0x92: {  	s25 =	simm.s32 @!p3 $0x0;
	s11 =	simm.s32 @!p3 $0x200;
	s16 =	simm.s32 @!p3 $0x10C80  }
0x93: {  	[tilespmem:s16], [sflag:$0x5] =	stream.indirect.gather @!p3 [spmem:s3], $0x80, s11, s15, $0xb8;
	[tilespmem:$0x19030] =	vst v63  }
0x94: {  	s26 =	sadd.s32 $0x280, s25;
	s28 =	rddreg [dreg:$0x5]  }
0x95: {  	[tilespmem:s17], [sflag:$0x6] =	stream.indirect.gather [spmem:s3], $0x80, s26, s28, $0xb8;
	[tilespmem:$0x19030] =	vst v63  }
0x96: {  	s8 =	sadd.s32 s5, s25;
	_ =	swait.ge [sflag:s18], $0x4000  }
0x97: {  	s8 =	sshll.u32 s8, $0x4;
	[sflag:s18] =	ssyncset.done $0x0  }
0x98: {  	s8 =	sadd.s32 s2, s8;
	s28 =	rddreg [dreg:$0x6];
	[sflag:s18] =	ssyncadd.s32 $0xFFFFC000  }
0x99: {  	[hbm4b:s8+s4] =	stream.linear.scatter [tilespmem:s28], [sflag:$0x7], $0x4000, $0x38;
	[tilespmem:$0x19030] =	vst v63  }
0x9a: {  	_ =	swait.ge [sflag:s19], $0x4000  }
0x9b: {  	[sflag:s19] =	ssyncset.done $0x0  }
0x9c: {  	s9 =	sadd.s32 s2, s9;
	s15 =	rddreg [dreg:$0x7];
	[sflag:s19] =	ssyncadd.s32 $0xFFFFC000  }
0x9d: {  	[hbm4b:s9+s4] =	stream.linear.scatter [tilespmem:s15], [sflag:$0x8], $0x4000, $0x38;
	[tilespmem:$0x19030] =	vst v63  }
0x9e: {  	_ =	swait.ge [sflag:s20], $0x4000  }
0x9f: {  	[sflag:s20] =	ssyncset.done $0x0  }
0xa0: {  	s24 =	sadd.s32 s2, s13;
	s16 =	rddreg [dreg:$0x8];
	[sflag:s20] =	ssyncadd.s32 $0xFFFFC000  }
0xa1: {  	[hbm4b:s24+s4] =	stream.linear.scatter [tilespmem:s16], [sflag:$0x9], $0x4000, $0x38;
	[tilespmem:$0x19030] =	vst v63  }
0xa2: {  	s7 =	sadd.s32 $0x300, s7;
	_ =	swait.ge [sflag:s21], $0x4000  }
0xa3: {  	p4 =	sne.s32 s7, $0xE00;
	[sflag:s21] =	ssyncset.done $0x0  }
0xa4: {  	s6 =	sadd.s32 s2, s6;
	s25 =	rddreg [dreg:$0x9];
	[sflag:s21] =	ssyncadd.s32 $0xFFFFC000  }
0xa5: {  	[hbm4b:s6+s4] =	stream.linear.scatter [tilespmem:s25], [sflag:$0xA], $0x4000, $0x38;
	[tilespmem:$0x19030] =	vst v63  }
.Ltmp4:
0xa6: {  	s12 =	sadd.s32 $0x300, s12;
	(pc) =	sbr.rel @p4 .LBB2_7-.Ltmp4, $4  }
0xa7: {  	s11 =	sadd.s32 s5, s26;
	p3 =	sne.s32 s0, $0x200;
	_ =	swait.ge [sflag:s22], $0x4000  }
0xa8: {  	s11 =	sshll.u32 s11, $0x4;
	s28 =	sadd.s32 s2, s14;
	[sflag:s22] =	ssyncset.done $0x0  }
0xa9: {  	s6 =	sadd.s32 s2, s11;
	s26 =	rddreg [dreg:$0xa];
	[sflag:s22] =	ssyncadd.s32 $0xFFFFC000  }
0xaa: {  	[hbm4b:s28+s4] =	stream.linear.scatter [tilespmem:s26], [sflag:$0xB], $0x4000, $0x38;
	[tilespmem:$0x19030] =	vst v63  }
0xab: {  	_ =	swait.ge [sflag:s23], $0x4000  }
0xac: {  	[sflag:s23] =	ssyncset.done $0x0  }
0xad: {  	s7 =	simm.s32 @p3 $0x7;
	[sflag:s23] =	ssyncadd.s32 $0xFFFFC000  }
0xae: {  	[hbm4b:s6+s4] =	stream.linear.scatter [tilespmem:s17], [sflag:$0xC], $0x4000, $0x38;
	[tilespmem:$0x19030] =	vst v63  }
0xaf: {  	_ =	swait.ge @p3 [sflag:s7], $0x4000  }
0xb0: {  	s8 =	simm.s32 @p3 $0x80;
	[sflag:s7] =	ssyncset.done @p3 $0x0  }
0xb1: {  	s6 =	sadd.s32 @p3 $0xFFFFFE00, s12;
	[sflag:s7] =	ssyncadd.s32 @p3 $0xFFFFC000;
	s7 =	simm.s32 @p3 $0xC80  }
0xb2: {  	[tilespmem:s7], [sflag:$0x1] =	stream.indirect.gather @p3 [spmem:s3], $0x80, s6, s8, $0xb8;
	[tilespmem:$0x19030] =	vst v63  }
0xb3: {  	s6 =	simm.s32 @p3 $0x8  }
0xb4: {  	_ =	swait.ge @p3 [sflag:s6], $0x4000  }
0xb5: {  	[sflag:s6] =	ssyncset.done @p3 $0x0  }
0xb6: {  	s7 =	sadd.s32 @p3 $0xFFFFFE80, s12;
	[sflag:s6] =	ssyncadd.s32 @p3 $0xFFFFC000;
	s6 =	simm.s32 @p3 $0x4C80  }
0xb7: {  	[tilespmem:s6], [sflag:$0x2] =	stream.indirect.gather @p3 [spmem:s3], $0x80, s7, s8, $0xb8;
	[tilespmem:$0x19030] =	vst v63  }
0xb8: {  	s6 =	simm.s32 @p3 $0x9  }
0xb9: {  	_ =	swait.ge @p3 [sflag:s6], $0x4000  }
0xba: {  	[sflag:s6] =	ssyncset.done @p3 $0x0  }
0xbb: {  	s7 =	sadd.s32 @p3 $0xFFFFFF00, s12;
	[sflag:s6] =	ssyncadd.s32 @p3 $0xFFFFC000;
	s6 =	simm.s32 @p3 $0x8C80  }
0xbc: {  	[tilespmem:s6], [sflag:$0x3] =	stream.indirect.gather @p3 [spmem:s3], $0x80, s7, s8, $0xb8;
	[tilespmem:$0x19030] =	vst v63  }
0xbd: {  	s6 =	simm.s32 @p3 $0xA  }
0xbe: {  	_ =	swait.ge @p3 [sflag:s6], $0x4000  }
0xbf: {  	[sflag:s6] =	ssyncset.done @p3 $0x0  }
0xc0: {  	s7 =	sadd.s32 @p3 $0xFFFFFF80, s12;
	[sflag:s6] =	ssyncadd.s32 @p3 $0xFFFFC000;
	s6 =	simm.s32 @p3 $0xCC80  }
0xc1: {  	[tilespmem:s6], [sflag:$0x4] =	stream.indirect.gather @p3 [spmem:s3], $0x80, s7, s8, $0xb8;
	[tilespmem:$0x19030] =	vst v63  }
0xc2: {  	s6 =	simm.s32 @p3 $0xB  }
0xc3: {  	_ =	swait.ge @p3 [sflag:s6], $0x4000  }
0xc4: {  	[sflag:s6] =	ssyncset.done @p3 $0x0  }
0xc5: {  	[sflag:s6] =	ssyncadd.s32 @p3 $0xFFFFC000;
	s6 =	simm.s32 @p3 $0x10C80  }
0xc6: {  	[tilespmem:s6], [sflag:$0x5] =	stream.indirect.gather @p3 [spmem:s3], $0x80, s12, s8, $0xb8;
	[tilespmem:$0x19030] =	vst v63  }
0xc7: {  	s6 =	simm.s32 @p3 $0xC  }
0xc8: {  	_ =	swait.ge @p3 [sflag:s6], $0x4000  }
0xc9: {  	s7 =	simm.s32 @!p3 $0x80;
	[sflag:s6] =	ssyncset.done @p3 $0x0  }
0xca: {  	s8 =	simm.s32 @!p3 $0x0;
	[sflag:s6] =	ssyncadd.s32 @p3 $0xFFFFC000;
	s6 =	simm.s32 @!p3 $0xC80  }
0xcb: {  	[tilespmem:s6], [sflag:$0x1] =	stream.indirect.gather @!p3 [spmem:s3], $0x80, s8, s7, $0xb8;
	[tilespmem:$0x19030] =	vst v63  }
0xcc: {  	s6 =	simm.s32 @!p3 $0x4C80  }
0xcd: {  	[tilespmem:s6], [sflag:$0x2] =	stream.indirect.gather @!p3 [spmem:s3], $0x80, s7, s7, $0xb8;
	[tilespmem:$0x19030] =	vst v63  }
0xce: {  	s8 =	simm.s32 @!p3 $0x8C80;
	s6 =	simm.s32 @!p3 $0x100  }
0xcf: {  	[tilespmem:s8], [sflag:$0x3] =	stream.indirect.gather @!p3 [spmem:s3], $0x80, s6, s7, $0xb8;
	[tilespmem:$0x19030] =	vst v63  }
0xd0: {  	s6 =	simm.s32 @!p3 $0x180;
	s8 =	simm.s32 @!p3 $0xCC80  }
0xd1: {  	[tilespmem:s8], [sflag:$0x4] =	stream.indirect.gather @!p3 [spmem:s3], $0x80, s6, s7, $0xb8;
	[tilespmem:$0x19030] =	vst v63  }
0xd2: {  	s6 =	simm.s32 @!p3 $0x200;
	s8 =	simm.s32 @!p3 $0x10C80  }
0xd3: {  	[tilespmem:s8], [sflag:$0x5] =	stream.indirect.gather @!p3 [spmem:s3], $0x80, s6, s7, $0xb8;
	[tilespmem:$0x19030] =	vst v63  }
0xd4: {  	s6 =	sadd.s32 @p3 $0xFFFFFE00, s0  }
0xd5: {  	s6 =	simm.s32 @!p3 $0x0  }
0xd6: {  	s8 =	rddreg [dreg:$0x5];
	s9 =	sadd.s32 $0x280, s6  }
0xd7: {  	[tilespmem:s17], [sflag:$0x6] =	stream.indirect.gather [spmem:s3], $0x80, s9, s8, $0xb8;
	[tilespmem:$0x19030] =	vst v63  }
0xd8: {  	s6 =	sadd.s32 s5, s6;
	_ =	swait.ge [sflag:s18], $0x4000  }
0xd9: {  	s6 =	sshll.u32 s6, $0x4;
	[sflag:s18] =	ssyncset.done $0x0  }
0xda: {  	s6 =	sadd.s32 s2, s6;
	s11 =	rddreg [dreg:$0x6];
	[sflag:s18] =	ssyncadd.s32 $0xFFFFC000  }
0xdb: {  	[hbm4b:s6+s4] =	stream.linear.scatter [tilespmem:s11], [sflag:$0x7], $0x4000, $0x38;
	[tilespmem:$0x19030] =	vst v63  }
0xdc: {  	s6 =	sadd.s32 @p3 $0xFFFFFE80, s0  }
0xdd: {  	s6 =	simm.s32 @!p3 $0x80  }
0xde: {  	_ =	swait.ge [sflag:s19], $0x4000;
	s6 =	sadd.s32 s5, s6  }
0xdf: {  	[sflag:s19] =	ssyncset.done $0x0;
	s6 =	sshll.u32 s6, $0x4  }
0xe0: {  	s12 =	rddreg [dreg:$0x7];
	[sflag:s19] =	ssyncadd.s32 $0xFFFFC000;
	s6 =	sadd.s32 s2, s6  }
0xe1: {  	[hbm4b:s6+s4] =	stream.linear.scatter [tilespmem:s12], [sflag:$0x8], $0x4000, $0x38;
	[tilespmem:$0x19030] =	vst v63  }
0xe2: {  	s6 =	sadd.s32 @p3 $0xFFFFFF00, s0  }
0xe3: {  	s6 =	simm.s32 @!p3 $0x100  }
0xe4: {  	_ =	swait.ge [sflag:s20], $0x4000;
	s6 =	sadd.s32 s5, s6  }
0xe5: {  	[sflag:s20] =	ssyncset.done $0x0;
	s6 =	sshll.u32 s6, $0x4  }
0xe6: {  	s13 =	rddreg [dreg:$0x8];
	[sflag:s20] =	ssyncadd.s32 $0xFFFFC000;
	s6 =	sadd.s32 s2, s6  }
0xe7: {  	[hbm4b:s6+s4] =	stream.linear.scatter [tilespmem:s13], [sflag:$0x9], $0x4000, $0x38;
	[tilespmem:$0x19030] =	vst v63  }
0xe8: {  	s6 =	sadd.s32 @p3 $0xFFFFFF80, s0  }
0xe9: {  	s6 =	simm.s32 @!p3 $0x180  }
0xea: {  	_ =	swait.ge [sflag:s21], $0x4000;
	s6 =	sadd.s32 s5, s6  }
0xeb: {  	s0 =	simm.s32 @!p3 $0x200;
	[sflag:s21] =	ssyncset.done $0x0;
	s6 =	sshll.u32 s6, $0x4  }
0xec: {  	s14 =	rddreg [dreg:$0x9];
	[sflag:s21] =	ssyncadd.s32 $0xFFFFC000;
	s6 =	sadd.s32 s2, s6  }
0xed: {  	[hbm4b:s6+s4] =	stream.linear.scatter [tilespmem:s14], [sflag:$0xA], $0x4000, $0x38;
	[tilespmem:$0x19030] =	vst v63  }
0xee: {  	s0 =	sadd.s32 s5, s0;
	_ =	swait.ge [sflag:s22], $0x4000  }
0xef: {  	s0 =	sshll.u32 s0, $0x4;
	[sflag:s22] =	ssyncset.done $0x0  }
0xf0: {  	s0 =	sadd.s32 s2, s0;
	s15 =	rddreg [dreg:$0xa];
	[sflag:s22] =	ssyncadd.s32 $0xFFFFC000  }
0xf1: {  	[hbm4b:s0+s4] =	stream.linear.scatter [tilespmem:s15], [sflag:$0xB], $0x4000, $0x38;
	[tilespmem:$0x19030] =	vst v63  }
0xf2: {  	s16 =	sadd.s32 s5, s9;
	_ =	swait.ge [sflag:s23], $0x4000  }
0xf3: {  	s0 =	sshll.u32 s16, $0x4;
	[sflag:s23] =	ssyncset.done $0x0  }
0xf4: {  	s24 =	simm.s32 $0x7;
	s0 =	sadd.s32 s2, s0;
	[sflag:s23] =	ssyncadd.s32 $0xFFFFC000  }
0xf5: {  	[hbm4b:s0+s4] =	stream.linear.scatter [tilespmem:s17], [sflag:$0xC], $0x4000, $0x38;
	[tilespmem:$0x19030] =	vst v63  }
0xf6: {  	_ =	swait.ge [sflag:s24], $0x4000  }
0xf7: {  	s7 =	simm.s32 @p0 $0xC80;
	[sflag:s24] =	ssyncset.done $0x0  }
0xf8: {  	s6 =	simm.s32 @p0 $0xC00;
	s0 =	simm.s32 @p0 $0x30;
	[sflag:s24] =	ssyncadd.s32 $0xFFFFC000  }
0xf9: {  	[tilespmem:s7], [sflag:$0x1] =	stream.indirect.gather @p0 [spmem:s3], $0x80, s6, s0, $0xb8;
	[tilespmem:$0x19030] =	vst v63  }
0xfa: {  	s0 =	simm.s32 @p0 $0x1  }
0xfb: {  	_ =	swait.ge @p0 [sflag:s0], $0x1800  }
0xfc: {  	[sflag:s0] =	ssyncset.done @p0 $0x0  }
0xfd: {  	[sflag:s0] =	ssyncadd.s32 @p0 $0xFFFFE800;
	s0 =	simm.s32 @p0 $0x0  }
0xfe: {  	[hbm4b:s10+s0] =	stream.linear.scatter @p0 [tilespmem:s7], [sflag:$0x7], $0x1800, $0x38;
	[tilespmem:$0x19030] =	vst v63  }
0xff: {  	s0 =	simm.s32 @p0 $0x7  }
0x100: {  	_ =	swait.ge @p0 [sflag:s0], $0x1800  }
0x101: {  	s6 =	simm.s32 @!p0 $0xC00;
	[sflag:s0] =	ssyncset.done @p0 $0x0  }
0x102: {  	s7 =	simm.s32 @!p0 $0xC80;
	[sflag:s0] =	ssyncadd.s32 @p0 $0xFFFFE800;
	s0 =	simm.s32 @!p0 $0x38  }
0x103: {  	[tilespmem:s7], [sflag:$0x1] =	stream.indirect.gather @!p0 [spmem:s3], $0x80, s6, s0, $0xb8;
	[tilespmem:$0x19030] =	vst v63  }
0x104: {  	s0 =	simm.s32 @!p0 $0x1  }
0x105: {  	_ =	swait.ge @!p0 [sflag:s0], $0x1C00  }
0x106: {  	[sflag:s0] =	ssyncset.done @!p0 $0x0  }
0x107: {  	[sflag:s0] =	ssyncadd.s32 @!p0 $0xFFFFE400;
	s0 =	simm.s32 @!p0 $0x0  }
0x108: {  	[hbm4b:s10+s0] =	stream.linear.scatter @!p0 [tilespmem:s7], [sflag:$0x7], $0x1C00, $0x38;
	[tilespmem:$0x19030] =	vst v63  }
0x109: {  	s0 =	simm.s32 @!p0 $0x7  }
0x10a: {  	_ =	swait.ge @!p0 [sflag:s0], $0x1C00  }
0x10b: {  	[sflag:s0] =	ssyncset.done @!p0 $0x0  }
0x10c: {  	s25 =	simm.s32 $0x8;
	[sflag:s0] =	ssyncadd.s32 @!p0 $0xFFFFE400  }
0x10d: {  	_ =	swait.ge [sflag:s25], $0x4000  }
0x10e: {  	[sflag:s25] =	ssyncset.done $0x0  }
0x10f: {  	s26 =	simm.s32 $0x9;
	[sflag:s25] =	ssyncadd.s32 $0xFFFFC000  }
0x110: {  	_ =	swait.ge [sflag:s26], $0x4000  }
0x111: {  	[sflag:s26] =	ssyncset.done $0x0  }
0x112: {  	[sflag:s26] =	ssyncadd.s32 $0xFFFFC000  }
0x113: {  	_ =	swait.ge [sflag:s29], $0x4000  }
0x114: {  	[sflag:s29] =	ssyncset.done $0x0  }
0x115: {  	[sflag:s29] =	ssyncadd.s32 $0xFFFFC000  }
0x116: {  	_ =	swait.ge [sflag:s30], $0x4000  }
0x117: {  	[sflag:s30] =	ssyncset.done $0x0  }
0x118: {  	[sflag:s30] =	ssyncadd.s32 $0xFFFFC000  }
0x119: {  	_ =	swait.ge [sflag:s31], $0x4000  }
0x11a: {  	s1 =	sadd.s32 $0x1, s1;
	s28 =	rddreg [dreg:$0xf]  }
0x11b: {  	p3 =	sne.s32 s1, s28  }
.Ltmp5:
0x11c: {  	_ = 	snop;
	(pc) =	sbr.rel @p3 .LBB2_1-.Ltmp5, $3  }
0x11d: {  	_ =	sdelay $0x1  }
0x11e: {  	[sflag:s31] =	ssyncset.done $0x0  }
0x11f: {  	[sflag:s31] =	ssyncadd.s32 $0xFFFFC000  }
0x120: {  	_ =	sfence.sel $0x180000  }
0x121: {  	[bflag:$0x0] =	sbarrier.arrive $0xFFFF  }
0x122: {  	_ =	strace $0x90000047  }
0x123: {  	s0 =	stileid.u32;
	[bflag:$0x2] =	sbarrier.arrive $0xFFFF  }
0x124: {  	p0 =	sne.s32 s0, $0x0;
	s0 =	rddreg [dreg:$0x4]  }
0x125: {  	s0 =	sadd.s32 @!p0 $0x100000, s0  }
0x126: {  	[sflag:s0] =	ssyncadd.tile.s32 @!p0 $0x1;
	_ =	shalt  }
.Lfunc_end2:
_tile_overlayer_lowered:
.L_overlay_start_2:
0x127: {  	(tag) =	ssettag $0x2  }
0x128: {  	s0 =	rddreg [dreg:$0x0];
	s2 =	stileid.u32  }
0x129: {  	s1 =	rddreg [dreg:$0x1];
	p0 =	sne.s32 s2, $0x0  }
0x12a: {  	s3 =	rddreg [dreg:$0x2];
	[bflag:$0x3] =	sbarrier.arrive $0xFFFF;
	s2 =	simm.s32 @!p0 $0x1C0E  }
0x12b: {  	[timem:s3], [sflag:s2] =	dma.local @!p0 [hbm:s0], s1  }
0x12c: {  	s0 =	simm.s32 @!p0 $0xE  }
0x12d: {  	_ =	swait.ge @!p0 [sflag:s0], s1  }
0x12e: {  	s1 =	ssub.s32 @!p0 $0x0, s1;
	[sflag:s0] =	ssyncset.done @!p0 $0x0  }
0x12f: {  	[sflag:s0] =	ssyncadd.s32 @!p0 s1  }
0x130: {  	[bflag:$0x3] =	sbarrier.arrive $0xFFFF  }
0x131: {  	_ =	shalt  }

</sc_bundles>
